<compile_context>
chip_gen: v7x
topology: tpu7x:2x2x1
jax: 0.10.2.dev20260603
libtpu: 0.0.44.dev20260713+nightly
codegen_flags: <defaults>
</compile_context>

<pallas_src>
import functools

import jax
import jax.numpy as jnp
from jax import lax
from jax.experimental import pallas as pl
from jax.experimental.pallas import tpu as pltpu
from jax.experimental.pallas import tpu_sc as plsc

_NUM_SC_CORES = 2
_NUM_SC_SUBCORES = 16
_NW = _NUM_SC_CORES * _NUM_SC_SUBCORES
_CHUNK = 128


def _sc_scatter_rows(x, pos):
    n, d = x.shape
    per_w = n // _NW
    n_chunks = per_w // _CHUNK
    mesh = plsc.VectorSubcoreMesh(core_axis_name="c", subcore_axis_name="s")

    @functools.partial(
        pl.kernel,
        out_type=jax.ShapeDtypeStruct((n, d), jnp.float32),
        mesh=mesh,
        scratch_types=[
            pltpu.VMEM((_CHUNK,), jnp.int32),
            pltpu.VMEM((_CHUNK, d), jnp.float32),
            pltpu.SemaphoreType.DMA,
        ],
    )
    def scat(x_hbm, pos_hbm, xs_hbm, idx_v, rows_v, sem):
        wid = lax.axis_index("s") * _NUM_SC_CORES + lax.axis_index("c")
        base = wid * per_w
        for c in range(n_chunks):
            off = base + c * _CHUNK
            pltpu.sync_copy(pos_hbm.at[pl.ds(off, _CHUNK)], idx_v)
            pltpu.sync_copy(x_hbm.at[pl.ds(off, _CHUNK)], rows_v)
            pltpu.async_copy(rows_v, xs_hbm.at[idx_v], sem).wait()

    return scat(x, pos)


def _sc_gather_rows(y_sorted, pos):
    n, d = y_sorted.shape
    per_w = n // _NW
    n_chunks = per_w // _CHUNK
    mesh = plsc.VectorSubcoreMesh(core_axis_name="c", subcore_axis_name="s")

    @functools.partial(
        pl.kernel,
        out_type=jax.ShapeDtypeStruct((n, d), jnp.float32),
        mesh=mesh,
        scratch_types=[
            pltpu.VMEM((_CHUNK,), jnp.int32),
            pltpu.VMEM((_CHUNK, d), jnp.float32),
            pltpu.SemaphoreType.DMA,
        ],
    )
    def gat(ys_hbm, pos_hbm, out_hbm, idx_v, rows_v, sem):
        wid = lax.axis_index("s") * _NUM_SC_CORES + lax.axis_index("c")
        base = wid * per_w
        for c in range(n_chunks):
            off = base + c * _CHUNK
            pltpu.sync_copy(pos_hbm.at[pl.ds(off, _CHUNK)], idx_v)
            pltpu.async_copy(ys_hbm.at[idx_v], rows_v, sem).wait()
            pltpu.sync_copy(rows_v, out_hbm.at[pl.ds(off, _CHUNK)])

    return gat(y_sorted, pos)

_TILE_M = 256
_CB = 1024


def _row_from_col(col):
    k = col.shape[0]
    eye = (
        jax.lax.broadcasted_iota(jnp.int32, (k, k), 0)
        == jax.lax.broadcasted_iota(jnp.int32, (k, k), 1)
    ).astype(jnp.float32)
    return jnp.sum(eye * col, axis=0, keepdims=True)


def _build_meta(counts_row, offs_row, n, tile_m):
    e = counts_row.shape[1]
    t = n // tile_m
    g_max = t + e
    ends_row = offs_row + counts_row

    t_col = jax.lax.broadcasted_iota(jnp.int32, (t, e), 0).astype(jnp.float32)
    inter = (offs_row < (t_col + 1.0) * tile_m) & (ends_row > t_col * tile_m)
    intf = inter.astype(jnp.float32)

    units_col = jnp.sum(intf, axis=1, keepdims=True)
    units_row = _row_from_col(units_col)
    ut_incl = (
        jax.lax.broadcasted_iota(jnp.int32, (t, t), 0)
        <= jax.lax.broadcasted_iota(jnp.int32, (t, t), 1)
    ).astype(jnp.float32)
    c_incl_row = jnp.dot(units_row, ut_incl, preferred_element_type=jnp.float32)

    g_iota = jax.lax.broadcasted_iota(jnp.int32, (g_max, t), 0).astype(jnp.float32)
    before = (c_incl_row <= g_iota).astype(jnp.float32)
    g_t_col = jnp.sum(before, axis=1, keepdims=True)
    g_t_col = jnp.minimum(g_t_col, float(t - 1))
    c_excl_at = jnp.sum(before * units_row, axis=1, keepdims=True)
    g_col1 = jax.lax.broadcasted_iota(jnp.int32, (g_max, 1), 0).astype(jnp.float32)
    r_col = g_col1 - c_excl_at

    ut_incl_e = (
        jax.lax.broadcasted_iota(jnp.int32, (e, e), 0)
        <= jax.lax.broadcasted_iota(jnp.int32, (e, e), 1)
    ).astype(jnp.float32)
    prefix_incl = jnp.dot(intf, ut_incl_e, preferred_element_type=jnp.float32)
    sel_t = (
        jax.lax.broadcasted_iota(jnp.int32, (g_max, t), 1).astype(jnp.float32) == g_t_col
    ).astype(jnp.float32)
    p_ge = jnp.dot(sel_t, prefix_incl, preferred_element_type=jnp.float32)
    g_e_col = jnp.sum((p_ge <= r_col).astype(jnp.float32), axis=1, keepdims=True)
    g_e_col = jnp.minimum(g_e_col, float(e - 1))

    sel_e = (
        jax.lax.broadcasted_iota(jnp.int32, (g_max, e), 1).astype(jnp.float32) == g_e_col
    ).astype(jnp.float32)
    offs_at = jnp.sum(sel_e * offs_row, axis=1, keepdims=True)
    ends_at = jnp.sum(sel_e * ends_row, axis=1, keepdims=True)

    total_units = jnp.sum(units_row)
    valid = g_col1 < total_units
    g_start_col = jnp.where(valid, jnp.maximum(g_t_col * tile_m, offs_at), 0.0)
    g_end_col = jnp.where(
        valid, jnp.minimum((g_t_col + 1.0) * tile_m, ends_at), 0.0
    )

    pad = jnp.zeros((1, 128 - g_max), jnp.float32)
    rows = [
        jnp.concatenate([_row_from_col(c), pad], axis=1)
        for c in (g_t_col, g_e_col, g_start_col, g_end_col)
    ]
    rows.append(jnp.zeros((4, 128), jnp.float32))
    return jnp.concatenate(rows, axis=0).astype(jnp.int32)


_RC = 1024


def _routing2_body(split_ref, pos_ref, meta_ref, oh_ref, tri_ref, *, n, e, tile_m):
    nk = n // _RC

    counts_col = jnp.zeros((e, 1), jnp.float32)
    lane_e = jax.lax.broadcasted_iota(jnp.int32, (e, _RC), 0)
    for k in range(nk):
        sp = split_ref[pl.ds(k, 1), :]
        oht = (lane_e == sp).astype(jnp.float32)
        oh_ref[k] = oht
        counts_col = counts_col + jnp.sum(oht, axis=1, keepdims=True)

    tri_e = (
        jax.lax.broadcasted_iota(jnp.int32, (e, e), 1)
        < jax.lax.broadcasted_iota(jnp.int32, (e, e), 0)
    ).astype(jnp.float32)
    offs_col = jnp.dot(
        tri_e,
        counts_col,
        preferred_element_type=jnp.float32,
        precision=jax.lax.Precision.HIGHEST,
    )

    meta_ref[...] = _build_meta(
        _row_from_col(counts_col), _row_from_col(offs_col), n, tile_m
    )

    tri_ref[...] = (
        jax.lax.broadcasted_iota(jnp.int32, (_RC, _RC), 0)
        < jax.lax.broadcasted_iota(jnp.int32, (_RC, _RC), 1)
    ).astype(jnp.float32)

    base_col = jnp.zeros((e, 1), jnp.float32)
    for k in range(nk):
        oht = oh_ref[k]
        rank = jnp.dot(oht, tri_ref[...], preferred_element_type=jnp.float32)
        val = (offs_col + base_col + rank) * oht
        pos_ref[pl.ds(k, 1), :] = jnp.sum(val, axis=0, keepdims=True).astype(
            jnp.int32
        )
        base_col = base_col + jnp.sum(oht, axis=1, keepdims=True)


def _routing(split, n, e):
    nk = n // _RC
    pos2, meta = pl.pallas_call(
        functools.partial(_routing2_body, n=n, e=e, tile_m=_TILE_M),
        grid=(1,),
        in_specs=[pl.BlockSpec((nk, _RC), lambda i: (0, 0))],
        out_specs=[
            pl.BlockSpec((nk, _RC), lambda i: (0, 0)),
            pl.BlockSpec((8, 128), lambda i: (0, 0)),
        ],
        scratch_shapes=[
            pltpu.VMEM((nk, e, _RC), jnp.float32),
            pltpu.VMEM((_RC, _RC), jnp.float32),
        ],
        out_shape=[
            jax.ShapeDtypeStruct((nk, _RC), jnp.int32),
            jax.ShapeDtypeStruct((8, 128), jnp.int32),
        ],
    )(split.reshape(nk, _RC))
    return pos2.reshape(n), meta


def _gmm_body(meta, x_ref, w_ref, b_ref, o_ref, *, tile_m):
    g = pl.program_id(0)
    y = jnp.dot(
        x_ref[...].astype(jnp.bfloat16),
        w_ref[0].astype(jnp.bfloat16),
        preferred_element_type=jnp.float32,
    )
    y = y + b_ref[0]
    row = meta[0, g] * tile_m + jax.lax.broadcasted_iota(jnp.int32, (tile_m, 1), 0)
    mask = (row >= meta[2, g]) & (row < meta[3, g])
    o_ref[...] = jnp.where(mask, y, o_ref[...])


def _grouped_matmul(x_sorted, W, b3, meta, g_max):
    n, d = x_sorted.shape
    tile_m = _TILE_M
    grid_spec = pltpu.PrefetchScalarGridSpec(
        num_scalar_prefetch=1,
        grid=(g_max,),
        in_specs=[
            pl.BlockSpec((tile_m, d), lambda g, meta: (meta[0, g], 0)),
            pl.BlockSpec((1, d, d), lambda g, meta: (meta[1, g], 0, 0)),
            pl.BlockSpec((1, 1, d), lambda g, meta: (meta[1, g], 0, 0)),
        ],
        out_specs=pl.BlockSpec((tile_m, d), lambda g, meta: (meta[0, g], 0)),
    )
    return pl.pallas_call(
        functools.partial(_gmm_body, tile_m=tile_m),
        grid_spec=grid_spec,
        out_shape=jax.ShapeDtypeStruct((n, d), jnp.float32),
    )(meta, x_sorted, W, b3)


def kernel(x, split, W, b):
    n, d = x.shape
    e = W.shape[0]
    split = split.astype(jnp.int32)

    pos, meta = _routing(split, n, e)
    x_sorted = _sc_scatter_rows(x, pos)

    y_sorted = _grouped_matmul(
        x_sorted, W, b.reshape(e, 1, d), meta, n // _TILE_M + e
    )
    return _sc_gather_rows(y_sorted, pos)

# --- scband reference (transcript-rebuilt; emitter-appended) ---
"""Pipeline reference for scband-router-36627481101025 (READ-ONLY COPY).

The authoritative reference and input builder live on the scoring server;
editing this copy changes nothing except your own understanding.
"""

import jax, jax.numpy as jnp
import numpy as np

E = 64
D = 768
N = 8192

def setup_inputs(seed: int = 0):
    key = jax.random.key(seed)
    k1, k2, k3, k4 = jax.random.split(key, 4)
    x = jax.random.normal(k1, (N, D), dtype=jnp.float32)
    split = jax.random.randint(k2, (N,), 0, E, dtype=jnp.int32).astype(jnp.int64)
    W = jax.random.normal(k3, (E, D, D), dtype=jnp.float32) * (1.0 / np.sqrt(D))
    b = jax.random.normal(k4, (E, D), dtype=jnp.float32) * 0.01
    return {"x": x, "split": split, "W": W, "b": b}

def reference(x, split, W, b):
    # Faithful translation of Router.forward with dist_mode='alone'.
    # Fixed-shape equivalent: routing tokens to experts, applying each expert's
    # Linear, and inverting the permutation is exactly applying expert split[n]
    # to token n. Iterate over all experts (static bound from W's shape) and
    # select each token's row by mask, which is identical to the gather/scatter.
    num_experts = W.shape[0]
    out = jnp.zeros((x.shape[0], W.shape[2]), dtype=x.dtype)
    for e in range(num_experts):
        y_e = x @ W[e] + b[e]
        out = jnp.where((split == e)[:, None], y_e, out)
    return out

if __name__ == "__main__":
    import jax
    _d = setup_inputs()
    print(jax.jit(kernel)(*tuple(_d.values())))

</pallas_src>

<mosaic_0001>
#map = affine_map<(d0, d1) -> (0, 0)>
#map1 = affine_map<(d0, d1) -> (0)>
module attributes {stable_mosaic.version = 14 : i64} {
  func.func @gat(%arg0: i32, %arg1: i32, %arg2: memref<8192x768xf32, #tpu.memory_space<hbm>>, %arg3: memref<8192xi32, #tpu.memory_space<hbm>>, %arg4: memref<8192x768xf32, #tpu.memory_space<hbm>>, %arg5: memref<128xi32, #tpu.memory_space<vmem>>, %arg6: memref<128x768xf32, #tpu.memory_space<vmem>>, %arg7: memref<!tpu.dma_semaphore, #tpu.memory_space<semaphore_mem>>) attributes {dimension_semantics = [#tpu.dimension_semantics<core_parallel>, #tpu.dimension_semantics<subcore_parallel>], iteration_bounds = array<i64: 2, 16>, scalar_prefetch = 0 : i64, scratch_operands = 3 : i64, tpu.core_type = #tpu.core_type<sc_vector_subcore>, window_params = [{transform_indices = #map}, {transform_indices = #map1}, {transform_indices = #map}]} {
    %mul3A = arith.constant 2 : i32
    %mul3A_0 = arith.muli %arg1, %mul3A : i32
    %add3A = arith.addi %mul3A_0, %arg0 : i32
    %mul3A_1 = arith.constant 256 : i32
    %mul3A_2 = arith.muli %add3A, %mul3A_1 : i32
    %add3A_3 = arith.constant 0 : i32
    %add3A_4 = arith.addi %mul3A_2, %add3A_3 : i32
    "tpu.region"() ({
      %run_scoped3A = tpu.sem_alloc : memref<!tpu.dma_semaphore, #tpu.memory_space<semaphore_mem>>
      %dma_start3A_17 = tpu.memref_slice %arg3[%add3A_4] : memref<8192xi32, #tpu.memory_space<hbm>> -> memref<128xi32, #tpu.memory_space<hbm>>
      %dma_start3A_18 = tpu.memref_slice %arg3[%add3A_4] : memref<8192xi32, #tpu.memory_space<hbm>> -> memref<128xi32, #tpu.memory_space<hbm>>
      tpu.enqueue_dma source(%dma_start3A_18 : memref<128xi32, #tpu.memory_space<hbm>>) target(%arg5 : memref<128xi32, #tpu.memory_space<vmem>>) target_semaphore(%run_scoped3A : memref<!tpu.dma_semaphore, #tpu.memory_space<semaphore_mem>>)
      %dma_wait3A_19 = tpu.memref_slice %arg3[%add3A_4] : memref<8192xi32, #tpu.memory_space<hbm>> -> memref<128xi32, #tpu.memory_space<hbm>>
      %dma_wait3A_20 = tpu.memref_slice %arg3[%add3A_4] : memref<8192xi32, #tpu.memory_space<hbm>> -> memref<128xi32, #tpu.memory_space<hbm>>
      tpu.wait_dma2 semaphore(%run_scoped3A : memref<!tpu.dma_semaphore, #tpu.memory_space<semaphore_mem>>) src(%dma_wait3A_20 : memref<128xi32, #tpu.memory_space<hbm>>) dst(%arg5 : memref<128xi32, #tpu.memory_space<vmem>>)
      tpu.yield
    }) : () -> ()
    %dma_start3A = arith.constant 0 : i32
    %dma_start3A_5 = arith.constant 0 : i32
    %dma_start3A_6 = tpu.memref_slice %arg2[%dma_start3A, %dma_start3A_5] : memref<8192x768xf32, #tpu.memory_space<hbm>> -> memref<8192x768xf32, #tpu.memory_space<hbm>>
    tpu.enqueue_indirect_dma source(%dma_start3A_6 : memref<8192x768xf32, #tpu.memory_space<hbm>>) target(%arg6 : memref<128x768xf32, #tpu.memory_space<vmem>>) offsets(%arg5 : memref<128xi32, #tpu.memory_space<vmem>>) semaphore(%arg7 : memref<!tpu.dma_semaphore, #tpu.memory_space<semaphore_mem>>)
    %dma_wait3A = arith.constant 0 : i32
    %dma_wait3A_7 = arith.constant 0 : i32
    %dma_wait3A_8 = tpu.memref_slice %arg2[%dma_wait3A, %dma_wait3A_7] : memref<8192x768xf32, #tpu.memory_space<hbm>> -> memref<8192x768xf32, #tpu.memory_space<hbm>>
    tpu.wait_indirect_dma semaphore(%arg7 : memref<!tpu.dma_semaphore, #tpu.memory_space<semaphore_mem>>) src(%dma_wait3A_8 : memref<8192x768xf32, #tpu.memory_space<hbm>>) dst(%arg6 : memref<128x768xf32, #tpu.memory_space<vmem>>)
    "tpu.region"() ({
      %run_scoped3A = tpu.sem_alloc : memref<!tpu.dma_semaphore, #tpu.memory_space<semaphore_mem>>
      %dma_start3A_17 = arith.constant 0 : i32
      %dma_start3A_18 = tpu.memref_slice %arg4[%add3A_4, %dma_start3A_17] : memref<8192x768xf32, #tpu.memory_space<hbm>> -> memref<128x768xf32, #tpu.memory_space<hbm>>
      %dma_start3A_19 = arith.constant 0 : i32
      %dma_start3A_20 = tpu.memref_slice %arg4[%add3A_4, %dma_start3A_19] : memref<8192x768xf32, #tpu.memory_space<hbm>> -> memref<128x768xf32, #tpu.memory_space<hbm>>
      tpu.enqueue_dma source(%arg6 : memref<128x768xf32, #tpu.memory_space<vmem>>) target(%dma_start3A_20 : memref<128x768xf32, #tpu.memory_space<hbm>>) target_semaphore(%run_scoped3A : memref<!tpu.dma_semaphore, #tpu.memory_space<semaphore_mem>>)
      %dma_wait3A_21 = arith.constant 0 : i32
      %dma_wait3A_22 = tpu.memref_slice %arg4[%add3A_4, %dma_wait3A_21] : memref<8192x768xf32, #tpu.memory_space<hbm>> -> memref<128x768xf32, #tpu.memory_space<hbm>>
      %dma_wait3A_23 = arith.constant 0 : i32
      %dma_wait3A_24 = tpu.memref_slice %arg4[%add3A_4, %dma_wait3A_23] : memref<8192x768xf32, #tpu.memory_space<hbm>> -> memref<128x768xf32, #tpu.memory_space<hbm>>
      tpu.wait_dma2 semaphore(%run_scoped3A : memref<!tpu.dma_semaphore, #tpu.memory_space<semaphore_mem>>) src(%arg6 : memref<128x768xf32, #tpu.memory_space<vmem>>) dst(%dma_wait3A_24 : memref<128x768xf32, #tpu.memory_space<hbm>>)
      tpu.yield
    }) : () -> ()
    %add3A_9 = arith.constant 128 : i32
    %add3A_10 = arith.addi %mul3A_2, %add3A_9 : i32
    "tpu.region"() ({
      %run_scoped3A = tpu.sem_alloc : memref<!tpu.dma_semaphore, #tpu.memory_space<semaphore_mem>>
      %dma_start3A_17 = tpu.memref_slice %arg3[%add3A_10] : memref<8192xi32, #tpu.memory_space<hbm>> -> memref<128xi32, #tpu.memory_space<hbm>>
      %dma_start3A_18 = tpu.memref_slice %arg3[%add3A_10] : memref<8192xi32, #tpu.memory_space<hbm>> -> memref<128xi32, #tpu.memory_space<hbm>>
      tpu.enqueue_dma source(%dma_start3A_18 : memref<128xi32, #tpu.memory_space<hbm>>) target(%arg5 : memref<128xi32, #tpu.memory_space<vmem>>) target_semaphore(%run_scoped3A : memref<!tpu.dma_semaphore, #tpu.memory_space<semaphore_mem>>)
      %dma_wait3A_19 = tpu.memref_slice %arg3[%add3A_10] : memref<8192xi32, #tpu.memory_space<hbm>> -> memref<128xi32, #tpu.memory_space<hbm>>
      %dma_wait3A_20 = tpu.memref_slice %arg3[%add3A_10] : memref<8192xi32, #tpu.memory_space<hbm>> -> memref<128xi32, #tpu.memory_space<hbm>>
      tpu.wait_dma2 semaphore(%run_scoped3A : memref<!tpu.dma_semaphore, #tpu.memory_space<semaphore_mem>>) src(%dma_wait3A_20 : memref<128xi32, #tpu.memory_space<hbm>>) dst(%arg5 : memref<128xi32, #tpu.memory_space<vmem>>)
      tpu.yield
    }) : () -> ()
    %dma_start3A_11 = arith.constant 0 : i32
    %dma_start3A_12 = arith.constant 0 : i32
    %dma_start3A_13 = tpu.memref_slice %arg2[%dma_start3A_11, %dma_start3A_12] : memref<8192x768xf32, #tpu.memory_space<hbm>> -> memref<8192x768xf32, #tpu.memory_space<hbm>>
    tpu.enqueue_indirect_dma source(%dma_start3A_13 : memref<8192x768xf32, #tpu.memory_space<hbm>>) target(%arg6 : memref<128x768xf32, #tpu.memory_space<vmem>>) offsets(%arg5 : memref<128xi32, #tpu.memory_space<vmem>>) semaphore(%arg7 : memref<!tpu.dma_semaphore, #tpu.memory_space<semaphore_mem>>)
    %dma_wait3A_14 = arith.constant 0 : i32
    %dma_wait3A_15 = arith.constant 0 : i32
    %dma_wait3A_16 = tpu.memref_slice %arg2[%dma_wait3A_14, %dma_wait3A_15] : memref<8192x768xf32, #tpu.memory_space<hbm>> -> memref<8192x768xf32, #tpu.memory_space<hbm>>
    tpu.wait_indirect_dma semaphore(%arg7 : memref<!tpu.dma_semaphore, #tpu.memory_space<semaphore_mem>>) src(%dma_wait3A_16 : memref<8192x768xf32, #tpu.memory_space<hbm>>) dst(%arg6 : memref<128x768xf32, #tpu.memory_space<vmem>>)
    "tpu.region"() ({
      %run_scoped3A = tpu.sem_alloc : memref<!tpu.dma_semaphore, #tpu.memory_space<semaphore_mem>>
      %dma_start3A_17 = arith.constant 0 : i32
      %dma_start3A_18 = tpu.memref_slice %arg4[%add3A_10, %dma_start3A_17] : memref<8192x768xf32, #tpu.memory_space<hbm>> -> memref<128x768xf32, #tpu.memory_space<hbm>>
      %dma_start3A_19 = arith.constant 0 : i32
      %dma_start3A_20 = tpu.memref_slice %arg4[%add3A_10, %dma_start3A_19] : memref<8192x768xf32, #tpu.memory_space<hbm>> -> memref<128x768xf32, #tpu.memory_space<hbm>>
      tpu.enqueue_dma source(%arg6 : memref<128x768xf32, #tpu.memory_space<vmem>>) target(%dma_start3A_20 : memref<128x768xf32, #tpu.memory_space<hbm>>) target_semaphore(%run_scoped3A : memref<!tpu.dma_semaphore, #tpu.memory_space<semaphore_mem>>)
      %dma_wait3A_21 = arith.constant 0 : i32
      %dma_wait3A_22 = tpu.memref_slice %arg4[%add3A_10, %dma_wait3A_21] : memref<8192x768xf32, #tpu.memory_space<hbm>> -> memref<128x768xf32, #tpu.memory_space<hbm>>
      %dma_wait3A_23 = arith.constant 0 : i32
      %dma_wait3A_24 = tpu.memref_slice %arg4[%add3A_10, %dma_wait3A_23] : memref<8192x768xf32, #tpu.memory_space<hbm>> -> memref<128x768xf32, #tpu.memory_space<hbm>>
      tpu.wait_dma2 semaphore(%run_scoped3A : memref<!tpu.dma_semaphore, #tpu.memory_space<semaphore_mem>>) src(%arg6 : memref<128x768xf32, #tpu.memory_space<vmem>>) dst(%dma_wait3A_24 : memref<128x768xf32, #tpu.memory_space<hbm>>)
      tpu.yield
    }) : () -> ()
    return
  }
}

#map = affine_map<(d0, d1) -> (0, 0)>
#map1 = affine_map<(d0, d1) -> (0)>
module attributes {stable_mosaic.version = 14 : i64} {
  func.func @scat(%arg0: i32, %arg1: i32, %arg2: memref<8192x768xf32, #tpu.memory_space<hbm>>, %arg3: memref<8192xi32, #tpu.memory_space<hbm>>, %arg4: memref<8192x768xf32, #tpu.memory_space<hbm>>, %arg5: memref<128xi32, #tpu.memory_space<vmem>>, %arg6: memref<128x768xf32, #tpu.memory_space<vmem>>, %arg7: memref<!tpu.dma_semaphore, #tpu.memory_space<semaphore_mem>>) attributes {dimension_semantics = [#tpu.dimension_semantics<core_parallel>, #tpu.dimension_semantics<subcore_parallel>], iteration_bounds = array<i64: 2, 16>, scalar_prefetch = 0 : i64, scratch_operands = 3 : i64, tpu.core_type = #tpu.core_type<sc_vector_subcore>, window_params = [{transform_indices = #map}, {transform_indices = #map1}, {transform_indices = #map}]} {
    %mul3A = arith.constant 2 : i32
    %mul3A_0 = arith.muli %arg1, %mul3A : i32
    %add3A = arith.addi %mul3A_0, %arg0 : i32
    %mul3A_1 = arith.constant 256 : i32
    %mul3A_2 = arith.muli %add3A, %mul3A_1 : i32
    %add3A_3 = arith.constant 0 : i32
    %add3A_4 = arith.addi %mul3A_2, %add3A_3 : i32
    "tpu.region"() ({
      %run_scoped3A = tpu.sem_alloc : memref<!tpu.dma_semaphore, #tpu.memory_space<semaphore_mem>>
      %dma_start3A_17 = tpu.memref_slice %arg3[%add3A_4] : memref<8192xi32, #tpu.memory_space<hbm>> -> memref<128xi32, #tpu.memory_space<hbm>>
      %dma_start3A_18 = tpu.memref_slice %arg3[%add3A_4] : memref<8192xi32, #tpu.memory_space<hbm>> -> memref<128xi32, #tpu.memory_space<hbm>>
      tpu.enqueue_dma source(%dma_start3A_18 : memref<128xi32, #tpu.memory_space<hbm>>) target(%arg5 : memref<128xi32, #tpu.memory_space<vmem>>) target_semaphore(%run_scoped3A : memref<!tpu.dma_semaphore, #tpu.memory_space<semaphore_mem>>)
      %dma_wait3A_19 = tpu.memref_slice %arg3[%add3A_4] : memref<8192xi32, #tpu.memory_space<hbm>> -> memref<128xi32, #tpu.memory_space<hbm>>
      %dma_wait3A_20 = tpu.memref_slice %arg3[%add3A_4] : memref<8192xi32, #tpu.memory_space<hbm>> -> memref<128xi32, #tpu.memory_space<hbm>>
      tpu.wait_dma2 semaphore(%run_scoped3A : memref<!tpu.dma_semaphore, #tpu.memory_space<semaphore_mem>>) src(%dma_wait3A_20 : memref<128xi32, #tpu.memory_space<hbm>>) dst(%arg5 : memref<128xi32, #tpu.memory_space<vmem>>)
      tpu.yield
    }) : () -> ()
    "tpu.region"() ({
      %run_scoped3A = tpu.sem_alloc : memref<!tpu.dma_semaphore, #tpu.memory_space<semaphore_mem>>
      %dma_start3A_17 = arith.constant 0 : i32
      %dma_start3A_18 = tpu.memref_slice %arg2[%add3A_4, %dma_start3A_17] : memref<8192x768xf32, #tpu.memory_space<hbm>> -> memref<128x768xf32, #tpu.memory_space<hbm>>
      %dma_start3A_19 = arith.constant 0 : i32
      %dma_start3A_20 = tpu.memref_slice %arg2[%add3A_4, %dma_start3A_19] : memref<8192x768xf32, #tpu.memory_space<hbm>> -> memref<128x768xf32, #tpu.memory_space<hbm>>
      tpu.enqueue_dma source(%dma_start3A_20 : memref<128x768xf32, #tpu.memory_space<hbm>>) target(%arg6 : memref<128x768xf32, #tpu.memory_space<vmem>>) target_semaphore(%run_scoped3A : memref<!tpu.dma_semaphore, #tpu.memory_space<semaphore_mem>>)
      %dma_wait3A_21 = arith.constant 0 : i32
      %dma_wait3A_22 = tpu.memref_slice %arg2[%add3A_4, %dma_wait3A_21] : memref<8192x768xf32, #tpu.memory_space<hbm>> -> memref<128x768xf32, #tpu.memory_space<hbm>>
      %dma_wait3A_23 = arith.constant 0 : i32
      %dma_wait3A_24 = tpu.memref_slice %arg2[%add3A_4, %dma_wait3A_23] : memref<8192x768xf32, #tpu.memory_space<hbm>> -> memref<128x768xf32, #tpu.memory_space<hbm>>
      tpu.wait_dma2 semaphore(%run_scoped3A : memref<!tpu.dma_semaphore, #tpu.memory_space<semaphore_mem>>) src(%dma_wait3A_24 : memref<128x768xf32, #tpu.memory_space<hbm>>) dst(%arg6 : memref<128x768xf32, #tpu.memory_space<vmem>>)
      tpu.yield
    }) : () -> ()
    %dma_start3A = arith.constant 0 : i32
    %dma_start3A_5 = arith.constant 0 : i32
    %dma_start3A_6 = tpu.memref_slice %arg4[%dma_start3A, %dma_start3A_5] : memref<8192x768xf32, #tpu.memory_space<hbm>> -> memref<8192x768xf32, #tpu.memory_space<hbm>>
    tpu.enqueue_indirect_dma source(%arg6 : memref<128x768xf32, #tpu.memory_space<vmem>>) target(%dma_start3A_6 : memref<8192x768xf32, #tpu.memory_space<hbm>>) offsets(%arg5 : memref<128xi32, #tpu.memory_space<vmem>>) semaphore(%arg7 : memref<!tpu.dma_semaphore, #tpu.memory_space<semaphore_mem>>)
    %dma_wait3A = arith.constant 0 : i32
    %dma_wait3A_7 = arith.constant 0 : i32
    %dma_wait3A_8 = tpu.memref_slice %arg4[%dma_wait3A, %dma_wait3A_7] : memref<8192x768xf32, #tpu.memory_space<hbm>> -> memref<8192x768xf32, #tpu.memory_space<hbm>>
    tpu.wait_indirect_dma semaphore(%arg7 : memref<!tpu.dma_semaphore, #tpu.memory_space<semaphore_mem>>) src(%arg6 : memref<128x768xf32, #tpu.memory_space<vmem>>) dst(%dma_wait3A_8 : memref<8192x768xf32, #tpu.memory_space<hbm>>)
    %add3A_9 = arith.constant 128 : i32
    %add3A_10 = arith.addi %mul3A_2, %add3A_9 : i32
    "tpu.region"() ({
      %run_scoped3A = tpu.sem_alloc : memref<!tpu.dma_semaphore, #tpu.memory_space<semaphore_mem>>
      %dma_start3A_17 = tpu.memref_slice %arg3[%add3A_10] : memref<8192xi32, #tpu.memory_space<hbm>> -> memref<128xi32, #tpu.memory_space<hbm>>
      %dma_start3A_18 = tpu.memref_slice %arg3[%add3A_10] : memref<8192xi32, #tpu.memory_space<hbm>> -> memref<128xi32, #tpu.memory_space<hbm>>
      tpu.enqueue_dma source(%dma_start3A_18 : memref<128xi32, #tpu.memory_space<hbm>>) target(%arg5 : memref<128xi32, #tpu.memory_space<vmem>>) target_semaphore(%run_scoped3A : memref<!tpu.dma_semaphore, #tpu.memory_space<semaphore_mem>>)
      %dma_wait3A_19 = tpu.memref_slice %arg3[%add3A_10] : memref<8192xi32, #tpu.memory_space<hbm>> -> memref<128xi32, #tpu.memory_space<hbm>>
      %dma_wait3A_20 = tpu.memref_slice %arg3[%add3A_10] : memref<8192xi32, #tpu.memory_space<hbm>> -> memref<128xi32, #tpu.memory_space<hbm>>
      tpu.wait_dma2 semaphore(%run_scoped3A : memref<!tpu.dma_semaphore, #tpu.memory_space<semaphore_mem>>) src(%dma_wait3A_20 : memref<128xi32, #tpu.memory_space<hbm>>) dst(%arg5 : memref<128xi32, #tpu.memory_space<vmem>>)
      tpu.yield
    }) : () -> ()
    "tpu.region"() ({
      %run_scoped3A = tpu.sem_alloc : memref<!tpu.dma_semaphore, #tpu.memory_space<semaphore_mem>>
      %dma_start3A_17 = arith.constant 0 : i32
      %dma_start3A_18 = tpu.memref_slice %arg2[%add3A_10, %dma_start3A_17] : memref<8192x768xf32, #tpu.memory_space<hbm>> -> memref<128x768xf32, #tpu.memory_space<hbm>>
      %dma_start3A_19 = arith.constant 0 : i32
      %dma_start3A_20 = tpu.memref_slice %arg2[%add3A_10, %dma_start3A_19] : memref<8192x768xf32, #tpu.memory_space<hbm>> -> memref<128x768xf32, #tpu.memory_space<hbm>>
      tpu.enqueue_dma source(%dma_start3A_20 : memref<128x768xf32, #tpu.memory_space<hbm>>) target(%arg6 : memref<128x768xf32, #tpu.memory_space<vmem>>) target_semaphore(%run_scoped3A : memref<!tpu.dma_semaphore, #tpu.memory_space<semaphore_mem>>)
      %dma_wait3A_21 = arith.constant 0 : i32
      %dma_wait3A_22 = tpu.memref_slice %arg2[%add3A_10, %dma_wait3A_21] : memref<8192x768xf32, #tpu.memory_space<hbm>> -> memref<128x768xf32, #tpu.memory_space<hbm>>
      %dma_wait3A_23 = arith.constant 0 : i32
      %dma_wait3A_24 = tpu.memref_slice %arg2[%add3A_10, %dma_wait3A_23] : memref<8192x768xf32, #tpu.memory_space<hbm>> -> memref<128x768xf32, #tpu.memory_space<hbm>>
      tpu.wait_dma2 semaphore(%run_scoped3A : memref<!tpu.dma_semaphore, #tpu.memory_space<semaphore_mem>>) src(%dma_wait3A_24 : memref<128x768xf32, #tpu.memory_space<hbm>>) dst(%arg6 : memref<128x768xf32, #tpu.memory_space<vmem>>)
      tpu.yield
    }) : () -> ()
    %dma_start3A_11 = arith.constant 0 : i32
    %dma_start3A_12 = arith.constant 0 : i32
    %dma_start3A_13 = tpu.memref_slice %arg4[%dma_start3A_11, %dma_start3A_12] : memref<8192x768xf32, #tpu.memory_space<hbm>> -> memref<8192x768xf32, #tpu.memory_space<hbm>>
    tpu.enqueue_indirect_dma source(%arg6 : memref<128x768xf32, #tpu.memory_space<vmem>>) target(%dma_start3A_13 : memref<8192x768xf32, #tpu.memory_space<hbm>>) offsets(%arg5 : memref<128xi32, #tpu.memory_space<vmem>>) semaphore(%arg7 : memref<!tpu.dma_semaphore, #tpu.memory_space<semaphore_mem>>)
    %dma_wait3A_14 = arith.constant 0 : i32
    %dma_wait3A_15 = arith.constant 0 : i32
    %dma_wait3A_16 = tpu.memref_slice %arg4[%dma_wait3A_14, %dma_wait3A_15] : memref<8192x768xf32, #tpu.memory_space<hbm>> -> memref<8192x768xf32, #tpu.memory_space<hbm>>
    tpu.wait_indirect_dma semaphore(%arg7 : memref<!tpu.dma_semaphore, #tpu.memory_space<semaphore_mem>>) src(%arg6 : memref<128x768xf32, #tpu.memory_space<vmem>>) dst(%dma_wait3A_16 : memref<8192x768xf32, #tpu.memory_space<hbm>>)
    return
  }
}

module attributes {stable_mosaic.version = 14 : i64} {
  func.func @_routing2_body(%arg0: i32, %arg1: memref<8x1024xi32, #tpu.memory_space<vmem>>, %arg2: memref<8x1024xi32, #tpu.memory_space<vmem>>, %arg3: memref<8x128xi32, #tpu.memory_space<vmem>>, %arg4: memref<8x64x1024xf32, #tpu.memory_space<vmem>>, %arg5: memref<1024x1024xf32, #tpu.memory_space<vmem>>) attributes {dimension_semantics = [#tpu.dimension_semantics<arbitrary>], iteration_bounds = array<i64: 1>, scalar_prefetch = 0 : i64, scratch_operands = 2 : i64, tpu.core_type = #tpu.core_type<tc>, window_params = [{pipeline_mode = #tpu.pipeline_mode<synchronous>, transform_indices = @transform_0, window_bounds = array<i64: 8, 1024>}, {pipeline_mode = #tpu.pipeline_mode<synchronous>, transform_indices = @transform_1, window_bounds = array<i64: 8, 1024>}, {pipeline_mode = #tpu.pipeline_mode<synchronous>, transform_indices = @transform_2, window_bounds = array<i64: 8, 128>}]} {
    %broadcast_in_dim3A = arith.constant 0.000000e+00 : f32
    %broadcast_in_dim3A_0 = vector.broadcast %broadcast_in_dim3A : f32 to vector<64x1xf32>
    %iota3A = tpu.iota {dimensions = array<i32: 0>} : vector<64x1024xi32>
    %get3A = arith.constant 0 : index
    %get3A_1 = arith.constant 0 : index
    %get3A_2 = vector.load %arg1[%get3A, %get3A_1] : memref<8x1024xi32, #tpu.memory_space<vmem>>, vector<1x1024xi32>
    %eq3A = vector.broadcast %get3A_2 : vector<1x1024xi32> to vector<64x1024xi32>
    %eq3A_3 = arith.cmpi eq, %iota3A, %eq3A : vector<64x1024xi32>
    %convert_element_type3A = arith.extui %eq3A_3 : vector<64x1024xi1> to vector<64x1024xi32>
    %convert_element_type3A_4 = arith.sitofp %convert_element_type3A : vector<64x1024xi32> to vector<64x1024xf32>
    %swap3A = arith.constant 0 : index
    %swap3A_5 = arith.constant 0 : index
    %swap3A_6 = arith.constant 0 : index
    %swap3A_7 = vector.load %arg4[%swap3A, %swap3A_5, %swap3A_6] : memref<8x64x1024xf32, #tpu.memory_space<vmem>>, vector<1x64x1024xf32>
    %swap3A_8 = vector.shape_cast %swap3A_7 : vector<1x64x1024xf32> to vector<64x1024xf32>
    %swap3A_9 = vector.shape_cast %convert_element_type3A_4 : vector<64x1024xf32> to vector<1x64x1024xf32>
    tpu.vector_store %arg4[%swap3A, %swap3A_5, %swap3A_6], %swap3A_9 {strides = array<i32>} : memref<8x64x1024xf32, #tpu.memory_space<vmem>>, vector<1x64x1024xf32>,
    %reduce_sum3A = arith.constant dense<0.000000e+00> : vector<64xf32>
    %reduce_sum3A_10 = vector.multi_reduction <add>, %convert_element_type3A_4, %reduce_sum3A [1] : vector<64x1024xf32> to vector<64xf32>
    %broadcast_in_dim3A_11 = vector.shape_cast %reduce_sum3A_10 : vector<64xf32> to vector<64x1xf32>
    %add3A = arith.addf %broadcast_in_dim3A_0, %broadcast_in_dim3A_11 : vector<64x1xf32>
    %get3A_12 = arith.constant 1 : index
    %get3A_13 = arith.constant 0 : index
    %get3A_14 = vector.load %arg1[%get3A_12, %get3A_13] : memref<8x1024xi32, #tpu.memory_space<vmem>>, vector<1x1024xi32>
    %eq3A_15 = vector.broadcast %get3A_14 : vector<1x1024xi32> to vector<64x1024xi32>
    %eq3A_16 = arith.cmpi eq, %iota3A, %eq3A_15 : vector<64x1024xi32>
    %convert_element_type3A_17 = arith.extui %eq3A_16 : vector<64x1024xi1> to vector<64x1024xi32>
    %convert_element_type3A_18 = arith.sitofp %convert_element_type3A_17 : vector<64x1024xi32> to vector<64x1024xf32>
    %swap3A_19 = arith.constant 1 : index
    %swap3A_20 = arith.constant 0 : index
    %swap3A_21 = arith.constant 0 : index
    %swap3A_22 = vector.load %arg4[%swap3A_19, %swap3A_20, %swap3A_21] : memref<8x64x1024xf32, #tpu.memory_space<vmem>>, vector<1x64x1024xf32>
    %swap3A_23 = vector.shape_cast %swap3A_22 : vector<1x64x1024xf32> to vector<64x1024xf32>
    %swap3A_24 = vector.shape_cast %convert_element_type3A_18 : vector<64x1024xf32> to vector<1x64x1024xf32>
    tpu.vector_store %arg4[%swap3A_19, %swap3A_20, %swap3A_21], %swap3A_24 {strides = array<i32>} : memref<8x64x1024xf32, #tpu.memory_space<vmem>>, vector<1x64x1024xf32>,
    %reduce_sum3A_25 = arith.constant dense<0.000000e+00> : vector<64xf32>
    %reduce_sum3A_26 = vector.multi_reduction <add>, %convert_element_type3A_18, %reduce_sum3A_25 [1] : vector<64x1024xf32> to vector<64xf32>
    %broadcast_in_dim3A_27 = vector.shape_cast %reduce_sum3A_26 : vector<64xf32> to vector<64x1xf32>
    %add3A_28 = arith.addf %add3A, %broadcast_in_dim3A_27 : vector<64x1xf32>
    %get3A_29 = arith.constant 2 : index
    %get3A_30 = arith.constant 0 : index
    %get3A_31 = vector.load %arg1[%get3A_29, %get3A_30] : memref<8x1024xi32, #tpu.memory_space<vmem>>, vector<1x1024xi32>
    %eq3A_32 = vector.broadcast %get3A_31 : vector<1x1024xi32> to vector<64x1024xi32>
    %eq3A_33 = arith.cmpi eq, %iota3A, %eq3A_32 : vector<64x1024xi32>
    %convert_element_type3A_34 = arith.extui %eq3A_33 : vector<64x1024xi1> to vector<64x1024xi32>
    %convert_element_type3A_35 = arith.sitofp %convert_element_type3A_34 : vector<64x1024xi32> to vector<64x1024xf32>
    %swap3A_36 = arith.constant 2 : index
    %swap3A_37 = arith.constant 0 : index
    %swap3A_38 = arith.constant 0 : index
    %swap3A_39 = vector.load %arg4[%swap3A_36, %swap3A_37, %swap3A_38] : memref<8x64x1024xf32, #tpu.memory_space<vmem>>, vector<1x64x1024xf32>
    %swap3A_40 = vector.shape_cast %swap3A_39 : vector<1x64x1024xf32> to vector<64x1024xf32>
    %swap3A_41 = vector.shape_cast %convert_element_type3A_35 : vector<64x1024xf32> to vector<1x64x1024xf32>
    tpu.vector_store %arg4[%swap3A_36, %swap3A_37, %swap3A_38], %swap3A_41 {strides = array<i32>} : memref<8x64x1024xf32, #tpu.memory_space<vmem>>, vector<1x64x1024xf32>,
    %reduce_sum3A_42 = arith.constant dense<0.000000e+00> : vector<64xf32>
    %reduce_sum3A_43 = vector.multi_reduction <add>, %convert_element_type3A_35, %reduce_sum3A_42 [1] : vector<64x1024xf32> to vector<64xf32>
    %broadcast_in_dim3A_44 = vector.shape_cast %reduce_sum3A_43 : vector<64xf32> to vector<64x1xf32>
    %add3A_45 = arith.addf %add3A_28, %broadcast_in_dim3A_44 : vector<64x1xf32>
    %get3A_46 = arith.constant 3 : index
    %get3A_47 = arith.constant 0 : index
    %get3A_48 = vector.load %arg1[%get3A_46, %get3A_47] : memref<8x1024xi32, #tpu.memory_space<vmem>>, vector<1x1024xi32>
    %eq3A_49 = vector.broadcast %get3A_48 : vector<1x1024xi32> to vector<64x1024xi32>
    %eq3A_50 = arith.cmpi eq, %iota3A, %eq3A_49 : vector<64x1024xi32>
    %convert_element_type3A_51 = arith.extui %eq3A_50 : vector<64x1024xi1> to vector<64x1024xi32>
    %convert_element_type3A_52 = arith.sitofp %convert_element_type3A_51 : vector<64x1024xi32> to vector<64x1024xf32>
    %swap3A_53 = arith.constant 3 : index
    %swap3A_54 = arith.constant 0 : index
    %swap3A_55 = arith.constant 0 : index
    %swap3A_56 = vector.load %arg4[%swap3A_53, %swap3A_54, %swap3A_55] : memref<8x64x1024xf32, #tpu.memory_space<vmem>>, vector<1x64x1024xf32>
    %swap3A_57 = vector.shape_cast %swap3A_56 : vector<1x64x1024xf32> to vector<64x1024xf32>
    %swap3A_58 = vector.shape_cast %convert_element_type3A_52 : vector<64x1024xf32> to vector<1x64x1024xf32>
    tpu.vector_store %arg4[%swap3A_53, %swap3A_54, %swap3A_55], %swap3A_58 {strides = array<i32>} : memref<8x64x1024xf32, #tpu.memory_space<vmem>>, vector<1x64x1024xf32>,
    %reduce_sum3A_59 = arith.constant dense<0.000000e+00> : vector<64xf32>
    %reduce_sum3A_60 = vector.multi_reduction <add>, %convert_element_type3A_52, %reduce_sum3A_59 [1] : vector<64x1024xf32> to vector<64xf32>
    %broadcast_in_dim3A_61 = vector.shape_cast %reduce_sum3A_60 : vector<64xf32> to vector<64x1xf32>
    %add3A_62 = arith.addf %add3A_45, %broadcast_in_dim3A_61 : vector<64x1xf32>
    %get3A_63 = arith.constant 4 : index
    %get3A_64 = arith.constant 0 : index
    %get3A_65 = vector.load %arg1[%get3A_63, %get3A_64] : memref<8x1024xi32, #tpu.memory_space<vmem>>, vector<1x1024xi32>
    %eq3A_66 = vector.broadcast %get3A_65 : vector<1x1024xi32> to vector<64x1024xi32>
    %eq3A_67 = arith.cmpi eq, %iota3A, %eq3A_66 : vector<64x1024xi32>
    %convert_element_type3A_68 = arith.extui %eq3A_67 : vector<64x1024xi1> to vector<64x1024xi32>
    %convert_element_type3A_69 = arith.sitofp %convert_element_type3A_68 : vector<64x1024xi32> to vector<64x1024xf32>
    %swap3A_70 = arith.constant 4 : index
    %swap3A_71 = arith.constant 0 : index
    %swap3A_72 = arith.constant 0 : index
    %swap3A_73 = vector.load %arg4[%swap3A_70, %swap3A_71, %swap3A_72] : memref<8x64x1024xf32, #tpu.memory_space<vmem>>, vector<1x64x1024xf32>
    %swap3A_74 = vector.shape_cast %swap3A_73 : vector<1x64x1024xf32> to vector<64x1024xf32>
    %swap3A_75 = vector.shape_cast %convert_element_type3A_69 : vector<64x1024xf32> to vector<1x64x1024xf32>
    tpu.vector_store %arg4[%swap3A_70, %swap3A_71, %swap3A_72], %swap3A_75 {strides = array<i32>} : memref<8x64x1024xf32, #tpu.memory_space<vmem>>, vector<1x64x1024xf32>,
    %reduce_sum3A_76 = arith.constant dense<0.000000e+00> : vector<64xf32>
    %reduce_sum3A_77 = vector.multi_reduction <add>, %convert_element_type3A_69, %reduce_sum3A_76 [1] : vector<64x1024xf32> to vector<64xf32>
    %broadcast_in_dim3A_78 = vector.shape_cast %reduce_sum3A_77 : vector<64xf32> to vector<64x1xf32>
    %add3A_79 = arith.addf %add3A_62, %broadcast_in_dim3A_78 : vector<64x1xf32>
    %get3A_80 = arith.constant 5 : index
    %get3A_81 = arith.constant 0 : index
    %get3A_82 = vector.load %arg1[%get3A_80, %get3A_81] : memref<8x1024xi32, #tpu.memory_space<vmem>>, vector<1x1024xi32>
    %eq3A_83 = vector.broadcast %get3A_82 : vector<1x1024xi32> to vector<64x1024xi32>
    %eq3A_84 = arith.cmpi eq, %iota3A, %eq3A_83 : vector<64x1024xi32>
    %convert_element_type3A_85 = arith.extui %eq3A_84 : vector<64x1024xi1> to vector<64x1024xi32>
    %convert_element_type3A_86 = arith.sitofp %convert_element_type3A_85 : vector<64x1024xi32> to vector<64x1024xf32>
    %swap3A_87 = arith.constant 5 : index
    %swap3A_88 = arith.constant 0 : index
    %swap3A_89 = arith.constant 0 : index
    %swap3A_90 = vector.load %arg4[%swap3A_87, %swap3A_88, %swap3A_89] : memref<8x64x1024xf32, #tpu.memory_space<vmem>>, vector<1x64x1024xf32>
    %swap3A_91 = vector.shape_cast %swap3A_90 : vector<1x64x1024xf32> to vector<64x1024xf32>
    %swap3A_92 = vector.shape_cast %convert_element_type3A_86 : vector<64x1024xf32> to vector<1x64x1024xf32>
    tpu.vector_store %arg4[%swap3A_87, %swap3A_88, %swap3A_89], %swap3A_92 {strides = array<i32>} : memref<8x64x1024xf32, #tpu.memory_space<vmem>>, vector<1x64x1024xf32>,
    %reduce_sum3A_93 = arith.constant dense<0.000000e+00> : vector<64xf32>
    %reduce_sum3A_94 = vector.multi_reduction <add>, %convert_element_type3A_86, %reduce_sum3A_93 [1] : vector<64x1024xf32> to vector<64xf32>
    %broadcast_in_dim3A_95 = vector.shape_cast %reduce_sum3A_94 : vector<64xf32> to vector<64x1xf32>
    %add3A_96 = arith.addf %add3A_79, %broadcast_in_dim3A_95 : vector<64x1xf32>
    %get3A_97 = arith.constant 6 : index
    %get3A_98 = arith.constant 0 : index
    %get3A_99 = vector.load %arg1[%get3A_97, %get3A_98] : memref<8x1024xi32, #tpu.memory_space<vmem>>, vector<1x1024xi32>
    %eq3A_100 = vector.broadcast %get3A_99 : vector<1x1024xi32> to vector<64x1024xi32>
    %eq3A_101 = arith.cmpi eq, %iota3A, %eq3A_100 : vector<64x1024xi32>
    %convert_element_type3A_102 = arith.extui %eq3A_101 : vector<64x1024xi1> to vector<64x1024xi32>
    %convert_element_type3A_103 = arith.sitofp %convert_element_type3A_102 : vector<64x1024xi32> to vector<64x1024xf32>
    %swap3A_104 = arith.constant 6 : index
    %swap3A_105 = arith.constant 0 : index
    %swap3A_106 = arith.constant 0 : index
    %swap3A_107 = vector.load %arg4[%swap3A_104, %swap3A_105, %swap3A_106] : memref<8x64x1024xf32, #tpu.memory_space<vmem>>, vector<1x64x1024xf32>
    %swap3A_108 = vector.shape_cast %swap3A_107 : vector<1x64x1024xf32> to vector<64x1024xf32>
    %swap3A_109 = vector.shape_cast %convert_element_type3A_103 : vector<64x1024xf32> to vector<1x64x1024xf32>
    tpu.vector_store %arg4[%swap3A_104, %swap3A_105, %swap3A_106], %swap3A_109 {strides = array<i32>} : memref<8x64x1024xf32, #tpu.memory_space<vmem>>, vector<1x64x1024xf32>,
    %reduce_sum3A_110 = arith.constant dense<0.000000e+00> : vector<64xf32>
    %reduce_sum3A_111 = vector.multi_reduction <add>, %convert_element_type3A_103, %reduce_sum3A_110 [1] : vector<64x1024xf32> to vector<64xf32>
    %broadcast_in_dim3A_112 = vector.shape_cast %reduce_sum3A_111 : vector<64xf32> to vector<64x1xf32>
    %add3A_113 = arith.addf %add3A_96, %broadcast_in_dim3A_112 : vector<64x1xf32>
    %get3A_114 = arith.constant 7 : index
    %get3A_115 = arith.constant 0 : index
    %get3A_116 = vector.load %arg1[%get3A_114, %get3A_115] : memref<8x1024xi32, #tpu.memory_space<vmem>>, vector<1x1024xi32>
    %eq3A_117 = vector.broadcast %get3A_116 : vector<1x1024xi32> to vector<64x1024xi32>
    %eq3A_118 = arith.cmpi eq, %iota3A, %eq3A_117 : vector<64x1024xi32>
    %convert_element_type3A_119 = arith.extui %eq3A_118 : vector<64x1024xi1> to vector<64x1024xi32>
    %convert_element_type3A_120 = arith.sitofp %convert_element_type3A_119 : vector<64x1024xi32> to vector<64x1024xf32>
    %swap3A_121 = arith.constant 7 : index
    %swap3A_122 = arith.constant 0 : index
    %swap3A_123 = arith.constant 0 : index
    %swap3A_124 = vector.load %arg4[%swap3A_121, %swap3A_122, %swap3A_123] : memref<8x64x1024xf32, #tpu.memory_space<vmem>>, vector<1x64x1024xf32>
    %swap3A_125 = vector.shape_cast %swap3A_124 : vector<1x64x1024xf32> to vector<64x1024xf32>
    %swap3A_126 = vector.shape_cast %convert_element_type3A_120 : vector<64x1024xf32> to vector<1x64x1024xf32>
    tpu.vector_store %arg4[%swap3A_121, %swap3A_122, %swap3A_123], %swap3A_126 {strides = array<i32>} : memref<8x64x1024xf32, #tpu.memory_space<vmem>>, vector<1x64x1024xf32>,
    %reduce_sum3A_127 = arith.constant dense<0.000000e+00> : vector<64xf32>
    %reduce_sum3A_128 = vector.multi_reduction <add>, %convert_element_type3A_120, %reduce_sum3A_127 [1] : vector<64x1024xf32> to vector<64xf32>
    %broadcast_in_dim3A_129 = vector.shape_cast %reduce_sum3A_128 : vector<64xf32> to vector<64x1xf32>
    %add3A_130 = arith.addf %add3A_113, %broadcast_in_dim3A_129 : vector<64x1xf32>
    %iota3A_131 = tpu.iota {dimensions = array<i32: 1>} : vector<64x64xi32>
    %iota3A_132 = tpu.iota {dimensions = array<i32: 0>} : vector<64x64xi32>
    %lt3A = arith.cmpi slt, %iota3A_131, %iota3A_132 : vector<64x64xi32>
    %convert_element_type3A_133 = arith.extui %lt3A : vector<64x64xi1> to vector<64x64xi32>
    %convert_element_type3A_134 = arith.sitofp %convert_element_type3A_133 : vector<64x64xi32> to vector<64x64xf32>
    %dot_general3A = arith.constant dense<0.000000e+00> : vector<64x1xf32>
    %dot_general3A_135 = tpu.matmul %convert_element_type3A_134, %add3A_130, %dot_general3A {dimension_numbers = #tpu.dot_dimension_numbers<[1], [0], [0], [1], [0, 0, 1, 1], [], []>, precision = #tpu.contract_precision<fp32>, transpose_lhs_hint = false} : vector<64x64xf32>, vector<64x1xf32>, vector<64x1xf32> -> vector<64x1xf32>
    %iota3A_136 = tpu.iota {dimensions = array<i32: 0>} : vector<64x64xi32>
    %iota3A_137 = tpu.iota {dimensions = array<i32: 1>} : vector<64x64xi32>
    %eq3A_138 = arith.cmpi eq, %iota3A_136, %iota3A_137 : vector<64x64xi32>
    %convert_element_type3A_139 = arith.extui %eq3A_138 : vector<64x64xi1> to vector<64x64xi32>
    %convert_element_type3A_140 = arith.sitofp %convert_element_type3A_139 : vector<64x64xi32> to vector<64x64xf32>
    %mul3A = vector.broadcast %add3A_130 : vector<64x1xf32> to vector<64x64xf32>
    %mul3A_141 = arith.mulf %convert_element_type3A_140, %mul3A : vector<64x64xf32>
    %reduce_sum3A_142 = arith.constant dense<0.000000e+00> : vector<64xf32>
    %reduce_sum3A_143 = vector.multi_reduction <add>, %mul3A_141, %reduce_sum3A_142 [0] : vector<64x64xf32> to vector<64xf32>
    %broadcast_in_dim3A_144 = vector.shape_cast %reduce_sum3A_143 : vector<64xf32> to vector<1x64xf32>
    %iota3A_145 = tpu.iota {dimensions = array<i32: 0>} : vector<64x64xi32>
    %iota3A_146 = tpu.iota {dimensions = array<i32: 1>} : vector<64x64xi32>
    %eq3A_147 = arith.cmpi eq, %iota3A_145, %iota3A_146 : vector<64x64xi32>
    %convert_element_type3A_148 = arith.extui %eq3A_147 : vector<64x64xi1> to vector<64x64xi32>
    %convert_element_type3A_149 = arith.sitofp %convert_element_type3A_148 : vector<64x64xi32> to vector<64x64xf32>
    %mul3A_150 = vector.broadcast %dot_general3A_135 : vector<64x1xf32> to vector<64x64xf32>
    %mul3A_151 = arith.mulf %convert_element_type3A_149, %mul3A_150 : vector<64x64xf32>
    %reduce_sum3A_152 = arith.constant dense<0.000000e+00> : vector<64xf32>
    %reduce_sum3A_153 = vector.multi_reduction <add>, %mul3A_151, %reduce_sum3A_152 [0] : vector<64x64xf32> to vector<64xf32>
    %broadcast_in_dim3A_154 = vector.shape_cast %reduce_sum3A_153 : vector<64xf32> to vector<1x64xf32>
    %add3A_155 = arith.addf %broadcast_in_dim3A_154, %broadcast_in_dim3A_144 : vector<1x64xf32>
    %iota3A_156 = tpu.iota {dimensions = array<i32: 0>} : vector<32x64xi32>
    %convert_element_type3A_157 = arith.sitofp %iota3A_156 : vector<32x64xi32> to vector<32x64xf32>
    %add3A_158 = arith.constant 1.000000e+00 : f32
    %add3A_159 = vector.broadcast %add3A_158 : f32 to vector<32x64xf32>
    %add3A_160 = arith.addf %convert_element_type3A_157, %add3A_159 : vector<32x64xf32>
    %mul3A_161 = arith.constant 2.560000e+02 : f32
    %mul3A_162 = vector.broadcast %mul3A_161 : f32 to vector<32x64xf32>
    %mul3A_163 = arith.mulf %add3A_160, %mul3A_162 : vector<32x64xf32>
    %lt3A_164 = vector.broadcast %broadcast_in_dim3A_154 : vector<1x64xf32> to vector<32x64xf32>
    %lt3A_165 = arith.cmpf olt, %lt3A_164, %mul3A_163 : vector<32x64xf32>
    %mul3A_166 = arith.constant 2.560000e+02 : f32
    %mul3A_167 = vector.broadcast %mul3A_166 : f32 to vector<32x64xf32>
    %mul3A_168 = arith.mulf %convert_element_type3A_157, %mul3A_167 : vector<32x64xf32>
    %gt3A = vector.broadcast %add3A_155 : vector<1x64xf32> to vector<32x64xf32>
    %gt3A_169 = arith.cmpf ogt, %gt3A, %mul3A_168 : vector<32x64xf32>
    %and3A = arith.andi %lt3A_165, %gt3A_169 : vector<32x64xi1>
    %convert_element_type3A_170 = arith.extui %and3A : vector<32x64xi1> to vector<32x64xi32>
    %convert_element_type3A_171 = arith.sitofp %convert_element_type3A_170 : vector<32x64xi32> to vector<32x64xf32>
    %reduce_sum3A_172 = arith.constant dense<0.000000e+00> : vector<32xf32>
    %reduce_sum3A_173 = vector.multi_reduction <add>, %convert_element_type3A_171, %reduce_sum3A_172 [1] : vector<32x64xf32> to vector<32xf32>
    %broadcast_in_dim3A_174 = vector.shape_cast %reduce_sum3A_173 : vector<32xf32> to vector<32x1xf32>
    %iota3A_175 = tpu.iota {dimensions = array<i32: 0>} : vector<32x32xi32>
    %iota3A_176 = tpu.iota {dimensions = array<i32: 1>} : vector<32x32xi32>
    %eq3A_177 = arith.cmpi eq, %iota3A_175, %iota3A_176 : vector<32x32xi32>
    %convert_element_type3A_178 = arith.extui %eq3A_177 : vector<32x32xi1> to vector<32x32xi32>
    %convert_element_type3A_179 = arith.sitofp %convert_element_type3A_178 : vector<32x32xi32> to vector<32x32xf32>
    %mul3A_180 = vector.broadcast %broadcast_in_dim3A_174 : vector<32x1xf32> to vector<32x32xf32>
    %mul3A_181 = arith.mulf %convert_element_type3A_179, %mul3A_180 : vector<32x32xf32>
    %reduce_sum3A_182 = arith.constant dense<0.000000e+00> : vector<32xf32>
    %reduce_sum3A_183 = vector.multi_reduction <add>, %mul3A_181, %reduce_sum3A_182 [0] : vector<32x32xf32> to vector<32xf32>
    %broadcast_in_dim3A_184 = vector.shape_cast %reduce_sum3A_183 : vector<32xf32> to vector<1x32xf32>
    %iota3A_185 = tpu.iota {dimensions = array<i32: 0>} : vector<32x32xi32>
    %iota3A_186 = tpu.iota {dimensions = array<i32: 1>} : vector<32x32xi32>
    %le3A = arith.cmpi sle, %iota3A_185, %iota3A_186 : vector<32x32xi32>
    %convert_element_type3A_187 = arith.extui %le3A : vector<32x32xi1> to vector<32x32xi32>
    %convert_element_type3A_188 = arith.sitofp %convert_element_type3A_187 : vector<32x32xi32> to vector<32x32xf32>
    %dot_general3A_189 = arith.constant dense<0.000000e+00> : vector<1x32xf32>
    %dot_general3A_190 = tpu.matmul %broadcast_in_dim3A_184, %convert_element_type3A_188, %dot_general3A_189 {dimension_numbers = #tpu.dot_dimension_numbers<[1], [0], [0], [1], [0, 0, 1, 1], [], []>, transpose_lhs_hint = false} : vector<1x32xf32>, vector<32x32xf32>, vector<1x32xf32> -> vector<1x32xf32>
    %iota3A_191 = tpu.iota {dimensions = array<i32: 0>} : vector<96x32xi32>
    %convert_element_type3A_192 = arith.sitofp %iota3A_191 : vector<96x32xi32> to vector<96x32xf32>
    %le3A_193 = vector.broadcast %dot_general3A_190 : vector<1x32xf32> to vector<96x32xf32>
    %le3A_194 = arith.cmpf ole, %le3A_193, %convert_element_type3A_192 : vector<96x32xf32>
    %convert_element_type3A_195 = arith.extui %le3A_194 : vector<96x32xi1> to vector<96x32xi32>
    %convert_element_type3A_196 = arith.sitofp %convert_element_type3A_195 : vector<96x32xi32> to vector<96x32xf32>
    %reduce_sum3A_197 = arith.constant dense<0.000000e+00> : vector<96xf32>
    %reduce_sum3A_198 = vector.multi_reduction <add>, %convert_element_type3A_196, %reduce_sum3A_197 [1] : vector<96x32xf32> to vector<96xf32>
    %broadcast_in_dim3A_199 = vector.shape_cast %reduce_sum3A_198 : vector<96xf32> to vector<96x1xf32>
    %min3A = arith.constant 3.100000e+01 : f32
    %min3A_200 = vector.broadcast %min3A : f32 to vector<96x1xf32>
    %min3A_201 = arith.minimumf %broadcast_in_dim3A_199, %min3A_200 : vector<96x1xf32>
    %mul3A_202 = vector.broadcast %broadcast_in_dim3A_184 : vector<1x32xf32> to vector<96x32xf32>
    %mul3A_203 = arith.mulf %convert_element_type3A_196, %mul3A_202 : vector<96x32xf32>
    %reduce_sum3A_204 = arith.constant dense<0.000000e+00> : vector<96xf32>
    %reduce_sum3A_205 = vector.multi_reduction <add>, %mul3A_203, %reduce_sum3A_204 [1] : vector<96x32xf32> to vector<96xf32>
    %broadcast_in_dim3A_206 = vector.shape_cast %reduce_sum3A_205 : vector<96xf32> to vector<96x1xf32>
    %iota3A_207 = tpu.iota {dimensions = array<i32: 0>} : vector<96x1xi32>
    %convert_element_type3A_208 = arith.sitofp %iota3A_207 : vector<96x1xi32> to vector<96x1xf32>
    %sub3A = arith.subf %convert_element_type3A_208, %broadcast_in_dim3A_206 : vector<96x1xf32>
    %iota3A_209 = tpu.iota {dimensions = array<i32: 0>} : vector<64x64xi32>
    %iota3A_210 = tpu.iota {dimensions = array<i32: 1>} : vector<64x64xi32>
    %le3A_211 = arith.cmpi sle, %iota3A_209, %iota3A_210 : vector<64x64xi32>
    %convert_element_type3A_212 = arith.extui %le3A_211 : vector<64x64xi1> to vector<64x64xi32>
    %convert_element_type3A_213 = arith.sitofp %convert_element_type3A_212 : vector<64x64xi32> to vector<64x64xf32>
    %dot_general3A_214 = arith.constant dense<0.000000e+00> : vector<32x64xf32>
    %dot_general3A_215 = tpu.matmul %convert_element_type3A_171, %convert_element_type3A_213, %dot_general3A_214 {dimension_numbers = #tpu.dot_dimension_numbers<[1], [0], [0], [1], [0, 0, 1, 1], [], []>, transpose_lhs_hint = false} : vector<32x64xf32>, vector<64x64xf32>, vector<32x64xf32> -> vector<32x64xf32>
    %iota3A_216 = tpu.iota {dimensions = array<i32: 1>} : vector<96x32xi32>
    %convert_element_type3A_217 = arith.sitofp %iota3A_216 : vector<96x32xi32> to vector<96x32xf32>
    %eq3A_218 = vector.broadcast %min3A_201 : vector<96x1xf32> to vector<96x32xf32>
    %eq3A_219 = arith.cmpf oeq, %convert_element_type3A_217, %eq3A_218 : vector<96x32xf32>
    %convert_element_type3A_220 = arith.extui %eq3A_219 : vector<96x32xi1> to vector<96x32xi32>
    %convert_element_type3A_221 = arith.sitofp %convert_element_type3A_220 : vector<96x32xi32> to vector<96x32xf32>
    %dot_general3A_222 = arith.constant dense<0.000000e+00> : vector<96x64xf32>
    %dot_general3A_223 = tpu.matmul %convert_element_type3A_221, %dot_general3A_215, %dot_general3A_222 {dimension_numbers = #tpu.dot_dimension_numbers<[1], [0], [0], [1], [0, 0, 1, 1], [], []>, transpose_lhs_hint = false} : vector<96x32xf32>, vector<32x64xf32>, vector<96x64xf32> -> vector<96x64xf32>
    %le3A_224 = vector.broadcast %sub3A : vector<96x1xf32> to vector<96x64xf32>
    %le3A_225 = arith.cmpf ole, %dot_general3A_223, %le3A_224 : vector<96x64xf32>
    %convert_element_type3A_226 = arith.extui %le3A_225 : vector<96x64xi1> to vector<96x64xi32>
    %convert_element_type3A_227 = arith.sitofp %convert_element_type3A_226 : vector<96x64xi32> to vector<96x64xf32>
    %reduce_sum3A_228 = arith.constant dense<0.000000e+00> : vector<96xf32>
    %reduce_sum3A_229 = vector.multi_reduction <add>, %convert_element_type3A_227, %reduce_sum3A_228 [1] : vector<96x64xf32> to vector<96xf32>
    %broadcast_in_dim3A_230 = vector.shape_cast %reduce_sum3A_229 : vector<96xf32> to vector<96x1xf32>
    %min3A_231 = arith.constant 6.300000e+01 : f32
    %min3A_232 = vector.broadcast %min3A_231 : f32 to vector<96x1xf32>
    %min3A_233 = arith.minimumf %broadcast_in_dim3A_230, %min3A_232 : vector<96x1xf32>
    %iota3A_234 = tpu.iota {dimensions = array<i32: 1>} : vector<96x64xi32>
    %convert_element_type3A_235 = arith.sitofp %iota3A_234 : vector<96x64xi32> to vector<96x64xf32>
    %eq3A_236 = vector.broadcast %min3A_233 : vector<96x1xf32> to vector<96x64xf32>
    %eq3A_237 = arith.cmpf oeq, %convert_element_type3A_235, %eq3A_236 : vector<96x64xf32>
    %convert_element_type3A_238 = arith.extui %eq3A_237 : vector<96x64xi1> to vector<96x64xi32>
    %convert_element_type3A_239 = arith.sitofp %convert_element_type3A_238 : vector<96x64xi32> to vector<96x64xf32>
    %mul3A_240 = vector.broadcast %broadcast_in_dim3A_154 : vector<1x64xf32> to vector<96x64xf32>
    %mul3A_241 = arith.mulf %convert_element_type3A_239, %mul3A_240 : vector<96x64xf32>
    %reduce_sum3A_242 = arith.constant dense<0.000000e+00> : vector<96xf32>
    %reduce_sum3A_243 = vector.multi_reduction <add>, %mul3A_241, %reduce_sum3A_242 [1] : vector<96x64xf32> to vector<96xf32>
    %broadcast_in_dim3A_244 = vector.shape_cast %reduce_sum3A_243 : vector<96xf32> to vector<96x1xf32>
    %mul3A_245 = vector.broadcast %add3A_155 : vector<1x64xf32> to vector<96x64xf32>
    %mul3A_246 = arith.mulf %convert_element_type3A_239, %mul3A_245 : vector<96x64xf32>
    %reduce_sum3A_247 = arith.constant dense<0.000000e+00> : vector<96xf32>
    %reduce_sum3A_248 = vector.multi_reduction <add>, %mul3A_246, %reduce_sum3A_247 [1] : vector<96x64xf32> to vector<96xf32>
    %broadcast_in_dim3A_249 = vector.shape_cast %reduce_sum3A_248 : vector<96xf32> to vector<96x1xf32>
    %reduce_sum3A_250 = vector.shape_cast %broadcast_in_dim3A_184 : vector<1x32xf32> to vector<1x1x32xf32>
    %reduce_sum3A_251 = arith.constant dense<0.000000e+00> : vector<1xf32>
    %reduce_sum3A_252 = vector.multi_reduction <add>, %reduce_sum3A_250, %reduce_sum3A_251 [1, 2] : vector<1x1x32xf32> to vector<1xf32>
    %reduce_sum3A_253 = vector.shape_cast %reduce_sum3A_252 : vector<1xf32> to vector<1x1x1xf32>
    %reduce_sum3A_254 = vector.extract %reduce_sum3A_253[0, 0, 0] : f32 from vector<1x1x1xf32>
    %lt3A_255 = vector.broadcast %reduce_sum3A_254 : f32 to vector<96x1xf32>
    %lt3A_256 = arith.cmpf olt, %convert_element_type3A_208, %lt3A_255 : vector<96x1xf32>
    %mul3A_257 = arith.constant 2.560000e+02 : f32
    %mul3A_258 = vector.broadcast %mul3A_257 : f32 to vector<96x1xf32>
    %mul3A_259 = arith.mulf %min3A_201, %mul3A_258 : vector<96x1xf32>
    %max3A = arith.maximumf %mul3A_259, %broadcast_in_dim3A_244 : vector<96x1xf32>
    %jit3A = arith.constant 0.000000e+00 : f32
    %broadcast_in_dim3A_260 = vector.broadcast %jit3A : f32 to vector<96x1xf32>
    %select_n3A = arith.select %lt3A_256, %max3A, %broadcast_in_dim3A_260 : vector<96x1xi1>, vector<96x1xf32>
    %add3A_261 = arith.constant 1.000000e+00 : f32
    %add3A_262 = vector.broadcast %add3A_261 : f32 to vector<96x1xf32>
    %add3A_263 = arith.addf %min3A_201, %add3A_262 : vector<96x1xf32>
    %mul3A_264 = arith.constant 2.560000e+02 : f32
    %mul3A_265 = vector.broadcast %mul3A_264 : f32 to vector<96x1xf32>
    %mul3A_266 = arith.mulf %add3A_263, %mul3A_265 : vector<96x1xf32>
    %min3A_267 = arith.minimumf %mul3A_266, %broadcast_in_dim3A_249 : vector<96x1xf32>
    %jit3A_268 = arith.constant 0.000000e+00 : f32
    %broadcast_in_dim3A_269 = vector.broadcast %jit3A_268 : f32 to vector<96x1xf32>
    %select_n3A_270 = arith.select %lt3A_256, %min3A_267, %broadcast_in_dim3A_269 : vector<96x1xi1>, vector<96x1xf32>
    %broadcast_in_dim3A_271 = arith.constant 0.000000e+00 : f32
    %broadcast_in_dim3A_272 = vector.broadcast %broadcast_in_dim3A_271 : f32 to vector<1x32xf32>
    %iota3A_273 = tpu.iota {dimensions = array<i32: 0>} : vector<96x96xi32>
    %iota3A_274 = tpu.iota {dimensions = array<i32: 1>} : vector<96x96xi32>
    %eq3A_275 = arith.cmpi eq, %iota3A_273, %iota3A_274 : vector<96x96xi32>
    %convert_element_type3A_276 = arith.extui %eq3A_275 : vector<96x96xi1> to vector<96x96xi32>
    %convert_element_type3A_277 = arith.sitofp %convert_element_type3A_276 : vector<96x96xi32> to vector<96x96xf32>
    %mul3A_278 = vector.broadcast %min3A_201 : vector<96x1xf32> to vector<96x96xf32>
    %mul3A_279 = arith.mulf %convert_element_type3A_277, %mul3A_278 : vector<96x96xf32>
    %reduce_sum3A_280 = arith.constant dense<0.000000e+00> : vector<96xf32>
    %reduce_sum3A_281 = vector.multi_reduction <add>, %mul3A_279, %reduce_sum3A_280 [0] : vector<96x96xf32> to vector<96xf32>
    %broadcast_in_dim3A_282 = vector.shape_cast %reduce_sum3A_281 : vector<96xf32> to vector<1x96xf32>
    %concatenate3A = tpu.concatenate %broadcast_in_dim3A_282, %broadcast_in_dim3A_272 in 1 : vector<1x96xf32>, vector<1x32xf32> -> vector<1x128xf32>
    %iota3A_283 = tpu.iota {dimensions = array<i32: 0>} : vector<96x96xi32>
    %iota3A_284 = tpu.iota {dimensions = array<i32: 1>} : vector<96x96xi32>
    %eq3A_285 = arith.cmpi eq, %iota3A_283, %iota3A_284 : vector<96x96xi32>
    %convert_element_type3A_286 = arith.extui %eq3A_285 : vector<96x96xi1> to vector<96x96xi32>
    %convert_element_type3A_287 = arith.sitofp %convert_element_type3A_286 : vector<96x96xi32> to vector<96x96xf32>
    %mul3A_288 = vector.broadcast %min3A_233 : vector<96x1xf32> to vector<96x96xf32>
    %mul3A_289 = arith.mulf %convert_element_type3A_287, %mul3A_288 : vector<96x96xf32>
    %reduce_sum3A_290 = arith.constant dense<0.000000e+00> : vector<96xf32>
    %reduce_sum3A_291 = vector.multi_reduction <add>, %mul3A_289, %reduce_sum3A_290 [0] : vector<96x96xf32> to vector<96xf32>
    %broadcast_in_dim3A_292 = vector.shape_cast %reduce_sum3A_291 : vector<96xf32> to vector<1x96xf32>
    %concatenate3A_293 = tpu.concatenate %broadcast_in_dim3A_292, %broadcast_in_dim3A_272 in 1 : vector<1x96xf32>, vector<1x32xf32> -> vector<1x128xf32>
    %iota3A_294 = tpu.iota {dimensions = array<i32: 0>} : vector<96x96xi32>
    %iota3A_295 = tpu.iota {dimensions = array<i32: 1>} : vector<96x96xi32>
    %eq3A_296 = arith.cmpi eq, %iota3A_294, %iota3A_295 : vector<96x96xi32>
    %convert_element_type3A_297 = arith.extui %eq3A_296 : vector<96x96xi1> to vector<96x96xi32>
    %convert_element_type3A_298 = arith.sitofp %convert_element_type3A_297 : vector<96x96xi32> to vector<96x96xf32>
    %mul3A_299 = vector.broadcast %select_n3A : vector<96x1xf32> to vector<96x96xf32>
    %mul3A_300 = arith.mulf %convert_element_type3A_298, %mul3A_299 : vector<96x96xf32>
    %reduce_sum3A_301 = arith.constant dense<0.000000e+00> : vector<96xf32>
    %reduce_sum3A_302 = vector.multi_reduction <add>, %mul3A_300, %reduce_sum3A_301 [0] : vector<96x96xf32> to vector<96xf32>
    %broadcast_in_dim3A_303 = vector.shape_cast %reduce_sum3A_302 : vector<96xf32> to vector<1x96xf32>
    %concatenate3A_304 = tpu.concatenate %broadcast_in_dim3A_303, %broadcast_in_dim3A_272 in 1 : vector<1x96xf32>, vector<1x32xf32> -> vector<1x128xf32>
    %iota3A_305 = tpu.iota {dimensions = array<i32: 0>} : vector<96x96xi32>
    %iota3A_306 = tpu.iota {dimensions = array<i32: 1>} : vector<96x96xi32>
    %eq3A_307 = arith.cmpi eq, %iota3A_305, %iota3A_306 : vector<96x96xi32>
    %convert_element_type3A_308 = arith.extui %eq3A_307 : vector<96x96xi1> to vector<96x96xi32>
    %convert_element_type3A_309 = arith.sitofp %convert_element_type3A_308 : vector<96x96xi32> to vector<96x96xf32>
    %mul3A_310 = vector.broadcast %select_n3A_270 : vector<96x1xf32> to vector<96x96xf32>
    %mul3A_311 = arith.mulf %convert_element_type3A_309, %mul3A_310 : vector<96x96xf32>
    %reduce_sum3A_312 = arith.constant dense<0.000000e+00> : vector<96xf32>
    %reduce_sum3A_313 = vector.multi_reduction <add>, %mul3A_311, %reduce_sum3A_312 [0] : vector<96x96xf32> to vector<96xf32>
    %broadcast_in_dim3A_314 = vector.shape_cast %reduce_sum3A_313 : vector<96xf32> to vector<1x96xf32>
    %concatenate3A_315 = tpu.concatenate %broadcast_in_dim3A_314, %broadcast_in_dim3A_272 in 1 : vector<1x96xf32>, vector<1x32xf32> -> vector<1x128xf32>
    %broadcast_in_dim3A_316 = arith.constant 0.000000e+00 : f32
    %broadcast_in_dim3A_317 = vector.broadcast %broadcast_in_dim3A_316 : f32 to vector<4x128xf32>
    %concatenate3A_318 = tpu.concatenate %concatenate3A, %concatenate3A_293, %concatenate3A_304, %concatenate3A_315, %broadcast_in_dim3A_317 in 0 : vector<1x128xf32>, vector<1x128xf32>, vector<1x128xf32>, vector<1x128xf32>, vector<4x128xf32> -> vector<8x128xf32>
    %convert_element_type3A_319 = arith.fptosi %concatenate3A_318 : vector<8x128xf32> to vector<8x128xi32>
    %swap3A_320 = arith.constant 0 : index
    %swap3A_321 = arith.constant 0 : index
    %swap3A_322 = vector.load %arg3[%swap3A_320, %swap3A_321] : memref<8x128xi32, #tpu.memory_space<vmem>>, vector<8x128xi32>
    tpu.vector_store %arg3[%swap3A_320, %swap3A_321], %convert_element_type3A_319 {strides = array<i32>} : memref<8x128xi32, #tpu.memory_space<vmem>>, vector<8x128xi32>,
    %iota3A_323 = tpu.iota {dimensions = array<i32: 0>} : vector<1024x1024xi32>
    %iota3A_324 = tpu.iota {dimensions = array<i32: 1>} : vector<1024x1024xi32>
    %lt3A_325 = arith.cmpi slt, %iota3A_323, %iota3A_324 : vector<1024x1024xi32>
    %convert_element_type3A_326 = arith.extui %lt3A_325 : vector<1024x1024xi1> to vector<1024x1024xi32>
    %convert_element_type3A_327 = arith.sitofp %convert_element_type3A_326 : vector<1024x1024xi32> to vector<1024x1024xf32>
    %swap3A_328 = arith.constant 0 : index
    %swap3A_329 = arith.constant 0 : index
    %swap3A_330 = vector.load %arg5[%swap3A_328, %swap3A_329] : memref<1024x1024xf32, #tpu.memory_space<vmem>>, vector<1024x1024xf32>
    tpu.vector_store %arg5[%swap3A_328, %swap3A_329], %convert_element_type3A_327 {strides = array<i32>} : memref<1024x1024xf32, #tpu.memory_space<vmem>>, vector<1024x1024xf32>,
    %broadcast_in_dim3A_331 = arith.constant 0.000000e+00 : f32
    %broadcast_in_dim3A_332 = vector.broadcast %broadcast_in_dim3A_331 : f32 to vector<64x1xf32>
    %get3A_333 = arith.constant 0 : index
    %get3A_334 = arith.constant 0 : index
    %get3A_335 = arith.constant 0 : index
    %get3A_336 = vector.load %arg4[%get3A_333, %get3A_334, %get3A_335] : memref<8x64x1024xf32, #tpu.memory_space<vmem>>, vector<1x64x1024xf32>
    %get3A_337 = vector.shape_cast %get3A_336 : vector<1x64x1024xf32> to vector<64x1024xf32>
    %get3A_338 = arith.constant 0 : index
    %get3A_339 = arith.constant 0 : index
    %get3A_340 = vector.load %arg5[%get3A_338, %get3A_339] : memref<1024x1024xf32, #tpu.memory_space<vmem>>, vector<1024x1024xf32>
    %dot_general3A_341 = arith.constant dense<0.000000e+00> : vector<64x1024xf32>
    %dot_general3A_342 = tpu.matmul %get3A_337, %get3A_340, %dot_general3A_341 {dimension_numbers = #tpu.dot_dimension_numbers<[1], [0], [0], [1], [0, 0, 1, 1], [], []>, transpose_lhs_hint = false} : vector<64x1024xf32>, vector<1024x1024xf32>, vector<64x1024xf32> -> vector<64x1024xf32>
    %add3A_343 = arith.addf %dot_general3A_135, %broadcast_in_dim3A_332 : vector<64x1xf32>
    %add3A_344 = vector.broadcast %add3A_343 : vector<64x1xf32> to vector<64x1024xf32>
    %add3A_345 = arith.addf %add3A_344, %dot_general3A_342 : vector<64x1024xf32>
    %mul3A_346 = arith.mulf %add3A_345, %get3A_337 : vector<64x1024xf32>
    %reduce_sum3A_347 = arith.constant dense<0.000000e+00> : vector<1024xf32>
    %reduce_sum3A_348 = vector.multi_reduction <add>, %mul3A_346, %reduce_sum3A_347 [0] : vector<64x1024xf32> to vector<1024xf32>
    %broadcast_in_dim3A_349 = vector.shape_cast %reduce_sum3A_348 : vector<1024xf32> to vector<1x1024xf32>
    %convert_element_type3A_350 = arith.fptosi %broadcast_in_dim3A_349 : vector<1x1024xf32> to vector<1x1024xi32>
    %swap3A_351 = arith.constant 0 : index
    %swap3A_352 = arith.constant 0 : index
    %swap3A_353 = vector.load %arg2[%swap3A_351, %swap3A_352] : memref<8x1024xi32, #tpu.memory_space<vmem>>, vector<1x1024xi32>
    tpu.vector_store %arg2[%swap3A_351, %swap3A_352], %convert_element_type3A_350 {strides = array<i32>} : memref<8x1024xi32, #tpu.memory_space<vmem>>, vector<1x1024xi32>,
    %reduce_sum3A_354 = arith.constant dense<0.000000e+00> : vector<64xf32>
    %reduce_sum3A_355 = vector.multi_reduction <add>, %get3A_337, %reduce_sum3A_354 [1] : vector<64x1024xf32> to vector<64xf32>
    %broadcast_in_dim3A_356 = vector.shape_cast %reduce_sum3A_355 : vector<64xf32> to vector<64x1xf32>
    %add3A_357 = arith.addf %broadcast_in_dim3A_332, %broadcast_in_dim3A_356 : vector<64x1xf32>
    %get3A_358 = arith.constant 1 : index
    %get3A_359 = arith.constant 0 : index
    %get3A_360 = arith.constant 0 : index
    %get3A_361 = vector.load %arg4[%get3A_358, %get3A_359, %get3A_360] : memref<8x64x1024xf32, #tpu.memory_space<vmem>>, vector<1x64x1024xf32>
    %get3A_362 = vector.shape_cast %get3A_361 : vector<1x64x1024xf32> to vector<64x1024xf32>
    %get3A_363 = arith.constant 0 : index
    %get3A_364 = arith.constant 0 : index
    %get3A_365 = vector.load %arg5[%get3A_363, %get3A_364] : memref<1024x1024xf32, #tpu.memory_space<vmem>>, vector<1024x1024xf32>
    %dot_general3A_366 = arith.constant dense<0.000000e+00> : vector<64x1024xf32>
    %dot_general3A_367 = tpu.matmul %get3A_362, %get3A_365, %dot_general3A_366 {dimension_numbers = #tpu.dot_dimension_numbers<[1], [0], [0], [1], [0, 0, 1, 1], [], []>, transpose_lhs_hint = false} : vector<64x1024xf32>, vector<1024x1024xf32>, vector<64x1024xf32> -> vector<64x1024xf32>
    %add3A_368 = arith.addf %dot_general3A_135, %add3A_357 : vector<64x1xf32>
    %add3A_369 = vector.broadcast %add3A_368 : vector<64x1xf32> to vector<64x1024xf32>
    %add3A_370 = arith.addf %add3A_369, %dot_general3A_367 : vector<64x1024xf32>
    %mul3A_371 = arith.mulf %add3A_370, %get3A_362 : vector<64x1024xf32>
    %reduce_sum3A_372 = arith.constant dense<0.000000e+00> : vector<1024xf32>
    %reduce_sum3A_373 = vector.multi_reduction <add>, %mul3A_371, %reduce_sum3A_372 [0] : vector<64x1024xf32> to vector<1024xf32>
    %broadcast_in_dim3A_374 = vector.shape_cast %reduce_sum3A_373 : vector<1024xf32> to vector<1x1024xf32>
    %convert_element_type3A_375 = arith.fptosi %broadcast_in_dim3A_374 : vector<1x1024xf32> to vector<1x1024xi32>
    %swap3A_376 = arith.constant 1 : index
    %swap3A_377 = arith.constant 0 : index
    %swap3A_378 = vector.load %arg2[%swap3A_376, %swap3A_377] : memref<8x1024xi32, #tpu.memory_space<vmem>>, vector<1x1024xi32>
    tpu.vector_store %arg2[%swap3A_376, %swap3A_377], %convert_element_type3A_375 {strides = array<i32>} : memref<8x1024xi32, #tpu.memory_space<vmem>>, vector<1x1024xi32>,
    %reduce_sum3A_379 = arith.constant dense<0.000000e+00> : vector<64xf32>
    %reduce_sum3A_380 = vector.multi_reduction <add>, %get3A_362, %reduce_sum3A_379 [1] : vector<64x1024xf32> to vector<64xf32>
    %broadcast_in_dim3A_381 = vector.shape_cast %reduce_sum3A_380 : vector<64xf32> to vector<64x1xf32>
    %add3A_382 = arith.addf %add3A_357, %broadcast_in_dim3A_381 : vector<64x1xf32>
    %get3A_383 = arith.constant 2 : index
    %get3A_384 = arith.constant 0 : index
    %get3A_385 = arith.constant 0 : index
    %get3A_386 = vector.load %arg4[%get3A_383, %get3A_384, %get3A_385] : memref<8x64x1024xf32, #tpu.memory_space<vmem>>, vector<1x64x1024xf32>
    %get3A_387 = vector.shape_cast %get3A_386 : vector<1x64x1024xf32> to vector<64x1024xf32>
    %get3A_388 = arith.constant 0 : index
    %get3A_389 = arith.constant 0 : index
    %get3A_390 = vector.load %arg5[%get3A_388, %get3A_389] : memref<1024x1024xf32, #tpu.memory_space<vmem>>, vector<1024x1024xf32>
    %dot_general3A_391 = arith.constant dense<0.000000e+00> : vector<64x1024xf32>
    %dot_general3A_392 = tpu.matmul %get3A_387, %get3A_390, %dot_general3A_391 {dimension_numbers = #tpu.dot_dimension_numbers<[1], [0], [0], [1], [0, 0, 1, 1], [], []>, transpose_lhs_hint = false} : vector<64x1024xf32>, vector<1024x1024xf32>, vector<64x1024xf32> -> vector<64x1024xf32>
    %add3A_393 = arith.addf %dot_general3A_135, %add3A_382 : vector<64x1xf32>
    %add3A_394 = vector.broadcast %add3A_393 : vector<64x1xf32> to vector<64x1024xf32>
    %add3A_395 = arith.addf %add3A_394, %dot_general3A_392 : vector<64x1024xf32>
    %mul3A_396 = arith.mulf %add3A_395, %get3A_387 : vector<64x1024xf32>
    %reduce_sum3A_397 = arith.constant dense<0.000000e+00> : vector<1024xf32>
    %reduce_sum3A_398 = vector.multi_reduction <add>, %mul3A_396, %reduce_sum3A_397 [0] : vector<64x1024xf32> to vector<1024xf32>
    %broadcast_in_dim3A_399 = vector.shape_cast %reduce_sum3A_398 : vector<1024xf32> to vector<1x1024xf32>
    %convert_element_type3A_400 = arith.fptosi %broadcast_in_dim3A_399 : vector<1x1024xf32> to vector<1x1024xi32>
    %swap3A_401 = arith.constant 2 : index
    %swap3A_402 = arith.constant 0 : index
    %swap3A_403 = vector.load %arg2[%swap3A_401, %swap3A_402] : memref<8x1024xi32, #tpu.memory_space<vmem>>, vector<1x1024xi32>
    tpu.vector_store %arg2[%swap3A_401, %swap3A_402], %convert_element_type3A_400 {strides = array<i32>} : memref<8x1024xi32, #tpu.memory_space<vmem>>, vector<1x1024xi32>,
    %reduce_sum3A_404 = arith.constant dense<0.000000e+00> : vector<64xf32>
    %reduce_sum3A_405 = vector.multi_reduction <add>, %get3A_387, %reduce_sum3A_404 [1] : vector<64x1024xf32> to vector<64xf32>
    %broadcast_in_dim3A_406 = vector.shape_cast %reduce_sum3A_405 : vector<64xf32> to vector<64x1xf32>
    %add3A_407 = arith.addf %add3A_382, %broadcast_in_dim3A_406 : vector<64x1xf32>
    %get3A_408 = arith.constant 3 : index
    %get3A_409 = arith.constant 0 : index
    %get3A_410 = arith.constant 0 : index
    %get3A_411 = vector.load %arg4[%get3A_408, %get3A_409, %get3A_410] : memref<8x64x1024xf32, #tpu.memory_space<vmem>>, vector<1x64x1024xf32>
    %get3A_412 = vector.shape_cast %get3A_411 : vector<1x64x1024xf32> to vector<64x1024xf32>
    %get3A_413 = arith.constant 0 : index
    %get3A_414 = arith.constant 0 : index
    %get3A_415 = vector.load %arg5[%get3A_413, %get3A_414] : memref<1024x1024xf32, #tpu.memory_space<vmem>>, vector<1024x1024xf32>
    %dot_general3A_416 = arith.constant dense<0.000000e+00> : vector<64x1024xf32>
    %dot_general3A_417 = tpu.matmul %get3A_412, %get3A_415, %dot_general3A_416 {dimension_numbers = #tpu.dot_dimension_numbers<[1], [0], [0], [1], [0, 0, 1, 1], [], []>, transpose_lhs_hint = false} : vector<64x1024xf32>, vector<1024x1024xf32>, vector<64x1024xf32> -> vector<64x1024xf32>
    %add3A_418 = arith.addf %dot_general3A_135, %add3A_407 : vector<64x1xf32>
    %add3A_419 = vector.broadcast %add3A_418 : vector<64x1xf32> to vector<64x1024xf32>
    %add3A_420 = arith.addf %add3A_419, %dot_general3A_417 : vector<64x1024xf32>
    %mul3A_421 = arith.mulf %add3A_420, %get3A_412 : vector<64x1024xf32>
    %reduce_sum3A_422 = arith.constant dense<0.000000e+00> : vector<1024xf32>
    %reduce_sum3A_423 = vector.multi_reduction <add>, %mul3A_421, %reduce_sum3A_422 [0] : vector<64x1024xf32> to vector<1024xf32>
    %broadcast_in_dim3A_424 = vector.shape_cast %reduce_sum3A_423 : vector<1024xf32> to vector<1x1024xf32>
    %convert_element_type3A_425 = arith.fptosi %broadcast_in_dim3A_424 : vector<1x1024xf32> to vector<1x1024xi32>
    %swap3A_426 = arith.constant 3 : index
    %swap3A_427 = arith.constant 0 : index
    %swap3A_428 = vector.load %arg2[%swap3A_426, %swap3A_427] : memref<8x1024xi32, #tpu.memory_space<vmem>>, vector<1x1024xi32>
    tpu.vector_store %arg2[%swap3A_426, %swap3A_427], %convert_element_type3A_425 {strides = array<i32>} : memref<8x1024xi32, #tpu.memory_space<vmem>>, vector<1x1024xi32>,
    %reduce_sum3A_429 = arith.constant dense<0.000000e+00> : vector<64xf32>
    %reduce_sum3A_430 = vector.multi_reduction <add>, %get3A_412, %reduce_sum3A_429 [1] : vector<64x1024xf32> to vector<64xf32>
    %broadcast_in_dim3A_431 = vector.shape_cast %reduce_sum3A_430 : vector<64xf32> to vector<64x1xf32>
    %add3A_432 = arith.addf %add3A_407, %broadcast_in_dim3A_431 : vector<64x1xf32>
    %get3A_433 = arith.constant 4 : index
    %get3A_434 = arith.constant 0 : index
    %get3A_435 = arith.constant 0 : index
    %get3A_436 = vector.load %arg4[%get3A_433, %get3A_434, %get3A_435] : memref<8x64x1024xf32, #tpu.memory_space<vmem>>, vector<1x64x1024xf32>
    %get3A_437 = vector.shape_cast %get3A_436 : vector<1x64x1024xf32> to vector<64x1024xf32>
    %get3A_438 = arith.constant 0 : index
    %get3A_439 = arith.constant 0 : index
    %get3A_440 = vector.load %arg5[%get3A_438, %get3A_439] : memref<1024x1024xf32, #tpu.memory_space<vmem>>, vector<1024x1024xf32>
    %dot_general3A_441 = arith.constant dense<0.000000e+00> : vector<64x1024xf32>
    %dot_general3A_442 = tpu.matmul %get3A_437, %get3A_440, %dot_general3A_441 {dimension_numbers = #tpu.dot_dimension_numbers<[1], [0], [0], [1], [0, 0, 1, 1], [], []>, transpose_lhs_hint = false} : vector<64x1024xf32>, vector<1024x1024xf32>, vector<64x1024xf32> -> vector<64x1024xf32>
    %add3A_443 = arith.addf %dot_general3A_135, %add3A_432 : vector<64x1xf32>
    %add3A_444 = vector.broadcast %add3A_443 : vector<64x1xf32> to vector<64x1024xf32>
    %add3A_445 = arith.addf %add3A_444, %dot_general3A_442 : vector<64x1024xf32>
    %mul3A_446 = arith.mulf %add3A_445, %get3A_437 : vector<64x1024xf32>
    %reduce_sum3A_447 = arith.constant dense<0.000000e+00> : vector<1024xf32>
    %reduce_sum3A_448 = vector.multi_reduction <add>, %mul3A_446, %reduce_sum3A_447 [0] : vector<64x1024xf32> to vector<1024xf32>
    %broadcast_in_dim3A_449 = vector.shape_cast %reduce_sum3A_448 : vector<1024xf32> to vector<1x1024xf32>
    %convert_element_type3A_450 = arith.fptosi %broadcast_in_dim3A_449 : vector<1x1024xf32> to vector<1x1024xi32>
    %swap3A_451 = arith.constant 4 : index
    %swap3A_452 = arith.constant 0 : index
    %swap3A_453 = vector.load %arg2[%swap3A_451, %swap3A_452] : memref<8x1024xi32, #tpu.memory_space<vmem>>, vector<1x1024xi32>
    tpu.vector_store %arg2[%swap3A_451, %swap3A_452], %convert_element_type3A_450 {strides = array<i32>} : memref<8x1024xi32, #tpu.memory_space<vmem>>, vector<1x1024xi32>,
    %reduce_sum3A_454 = arith.constant dense<0.000000e+00> : vector<64xf32>
    %reduce_sum3A_455 = vector.multi_reduction <add>, %get3A_437, %reduce_sum3A_454 [1] : vector<64x1024xf32> to vector<64xf32>
    %broadcast_in_dim3A_456 = vector.shape_cast %reduce_sum3A_455 : vector<64xf32> to vector<64x1xf32>
    %add3A_457 = arith.addf %add3A_432, %broadcast_in_dim3A_456 : vector<64x1xf32>
    %get3A_458 = arith.constant 5 : index
    %get3A_459 = arith.constant 0 : index
    %get3A_460 = arith.constant 0 : index
    %get3A_461 = vector.load %arg4[%get3A_458, %get3A_459, %get3A_460] : memref<8x64x1024xf32, #tpu.memory_space<vmem>>, vector<1x64x1024xf32>
    %get3A_462 = vector.shape_cast %get3A_461 : vector<1x64x1024xf32> to vector<64x1024xf32>
    %get3A_463 = arith.constant 0 : index
    %get3A_464 = arith.constant 0 : index
    %get3A_465 = vector.load %arg5[%get3A_463, %get3A_464] : memref<1024x1024xf32, #tpu.memory_space<vmem>>, vector<1024x1024xf32>
    %dot_general3A_466 = arith.constant dense<0.000000e+00> : vector<64x1024xf32>
    %dot_general3A_467 = tpu.matmul %get3A_462, %get3A_465, %dot_general3A_466 {dimension_numbers = #tpu.dot_dimension_numbers<[1], [0], [0], [1], [0, 0, 1, 1], [], []>, transpose_lhs_hint = false} : vector<64x1024xf32>, vector<1024x1024xf32>, vector<64x1024xf32> -> vector<64x1024xf32>
    %add3A_468 = arith.addf %dot_general3A_135, %add3A_457 : vector<64x1xf32>
    %add3A_469 = vector.broadcast %add3A_468 : vector<64x1xf32> to vector<64x1024xf32>
    %add3A_470 = arith.addf %add3A_469, %dot_general3A_467 : vector<64x1024xf32>
    %mul3A_471 = arith.mulf %add3A_470, %get3A_462 : vector<64x1024xf32>
    %reduce_sum3A_472 = arith.constant dense<0.000000e+00> : vector<1024xf32>
    %reduce_sum3A_473 = vector.multi_reduction <add>, %mul3A_471, %reduce_sum3A_472 [0] : vector<64x1024xf32> to vector<1024xf32>
    %broadcast_in_dim3A_474 = vector.shape_cast %reduce_sum3A_473 : vector<1024xf32> to vector<1x1024xf32>
    %convert_element_type3A_475 = arith.fptosi %broadcast_in_dim3A_474 : vector<1x1024xf32> to vector<1x1024xi32>
    %swap3A_476 = arith.constant 5 : index
    %swap3A_477 = arith.constant 0 : index
    %swap3A_478 = vector.load %arg2[%swap3A_476, %swap3A_477] : memref<8x1024xi32, #tpu.memory_space<vmem>>, vector<1x1024xi32>
    tpu.vector_store %arg2[%swap3A_476, %swap3A_477], %convert_element_type3A_475 {strides = array<i32>} : memref<8x1024xi32, #tpu.memory_space<vmem>>, vector<1x1024xi32>,
    %reduce_sum3A_479 = arith.constant dense<0.000000e+00> : vector<64xf32>
    %reduce_sum3A_480 = vector.multi_reduction <add>, %get3A_462, %reduce_sum3A_479 [1] : vector<64x1024xf32> to vector<64xf32>
    %broadcast_in_dim3A_481 = vector.shape_cast %reduce_sum3A_480 : vector<64xf32> to vector<64x1xf32>
    %add3A_482 = arith.addf %add3A_457, %broadcast_in_dim3A_481 : vector<64x1xf32>
    %get3A_483 = arith.constant 6 : index
    %get3A_484 = arith.constant 0 : index
    %get3A_485 = arith.constant 0 : index
    %get3A_486 = vector.load %arg4[%get3A_483, %get3A_484, %get3A_485] : memref<8x64x1024xf32, #tpu.memory_space<vmem>>, vector<1x64x1024xf32>
    %get3A_487 = vector.shape_cast %get3A_486 : vector<1x64x1024xf32> to vector<64x1024xf32>
    %get3A_488 = arith.constant 0 : index
    %get3A_489 = arith.constant 0 : index
    %get3A_490 = vector.load %arg5[%get3A_488, %get3A_489] : memref<1024x1024xf32, #tpu.memory_space<vmem>>, vector<1024x1024xf32>
    %dot_general3A_491 = arith.constant dense<0.000000e+00> : vector<64x1024xf32>
    %dot_general3A_492 = tpu.matmul %get3A_487, %get3A_490, %dot_general3A_491 {dimension_numbers = #tpu.dot_dimension_numbers<[1], [0], [0], [1], [0, 0, 1, 1], [], []>, transpose_lhs_hint = false} : vector<64x1024xf32>, vector<1024x1024xf32>, vector<64x1024xf32> -> vector<64x1024xf32>
    %add3A_493 = arith.addf %dot_general3A_135, %add3A_482 : vector<64x1xf32>
    %add3A_494 = vector.broadcast %add3A_493 : vector<64x1xf32> to vector<64x1024xf32>
    %add3A_495 = arith.addf %add3A_494, %dot_general3A_492 : vector<64x1024xf32>
    %mul3A_496 = arith.mulf %add3A_495, %get3A_487 : vector<64x1024xf32>
    %reduce_sum3A_497 = arith.constant dense<0.000000e+00> : vector<1024xf32>
    %reduce_sum3A_498 = vector.multi_reduction <add>, %mul3A_496, %reduce_sum3A_497 [0] : vector<64x1024xf32> to vector<1024xf32>
    %broadcast_in_dim3A_499 = vector.shape_cast %reduce_sum3A_498 : vector<1024xf32> to vector<1x1024xf32>
    %convert_element_type3A_500 = arith.fptosi %broadcast_in_dim3A_499 : vector<1x1024xf32> to vector<1x1024xi32>
    %swap3A_501 = arith.constant 6 : index
    %swap3A_502 = arith.constant 0 : index
    %swap3A_503 = vector.load %arg2[%swap3A_501, %swap3A_502] : memref<8x1024xi32, #tpu.memory_space<vmem>>, vector<1x1024xi32>
    tpu.vector_store %arg2[%swap3A_501, %swap3A_502], %convert_element_type3A_500 {strides = array<i32>} : memref<8x1024xi32, #tpu.memory_space<vmem>>, vector<1x1024xi32>,
    %reduce_sum3A_504 = arith.constant dense<0.000000e+00> : vector<64xf32>
    %reduce_sum3A_505 = vector.multi_reduction <add>, %get3A_487, %reduce_sum3A_504 [1] : vector<64x1024xf32> to vector<64xf32>
    %broadcast_in_dim3A_506 = vector.shape_cast %reduce_sum3A_505 : vector<64xf32> to vector<64x1xf32>
    %add3A_507 = arith.addf %add3A_482, %broadcast_in_dim3A_506 : vector<64x1xf32>
    %get3A_508 = arith.constant 7 : index
    %get3A_509 = arith.constant 0 : index
    %get3A_510 = arith.constant 0 : index
    %get3A_511 = vector.load %arg4[%get3A_508, %get3A_509, %get3A_510] : memref<8x64x1024xf32, #tpu.memory_space<vmem>>, vector<1x64x1024xf32>
    %get3A_512 = vector.shape_cast %get3A_511 : vector<1x64x1024xf32> to vector<64x1024xf32>
    %get3A_513 = arith.constant 0 : index
    %get3A_514 = arith.constant 0 : index
    %get3A_515 = vector.load %arg5[%get3A_513, %get3A_514] : memref<1024x1024xf32, #tpu.memory_space<vmem>>, vector<1024x1024xf32>
    %dot_general3A_516 = arith.constant dense<0.000000e+00> : vector<64x1024xf32>
    %dot_general3A_517 = tpu.matmul %get3A_512, %get3A_515, %dot_general3A_516 {dimension_numbers = #tpu.dot_dimension_numbers<[1], [0], [0], [1], [0, 0, 1, 1], [], []>, transpose_lhs_hint = false} : vector<64x1024xf32>, vector<1024x1024xf32>, vector<64x1024xf32> -> vector<64x1024xf32>
    %add3A_518 = arith.addf %dot_general3A_135, %add3A_507 : vector<64x1xf32>
    %add3A_519 = vector.broadcast %add3A_518 : vector<64x1xf32> to vector<64x1024xf32>
    %add3A_520 = arith.addf %add3A_519, %dot_general3A_517 : vector<64x1024xf32>
    %mul3A_521 = arith.mulf %add3A_520, %get3A_512 : vector<64x1024xf32>
    %reduce_sum3A_522 = arith.constant dense<0.000000e+00> : vector<1024xf32>
    %reduce_sum3A_523 = vector.multi_reduction <add>, %mul3A_521, %reduce_sum3A_522 [0] : vector<64x1024xf32> to vector<1024xf32>
    %broadcast_in_dim3A_524 = vector.shape_cast %reduce_sum3A_523 : vector<1024xf32> to vector<1x1024xf32>
    %convert_element_type3A_525 = arith.fptosi %broadcast_in_dim3A_524 : vector<1x1024xf32> to vector<1x1024xi32>
    %swap3A_526 = arith.constant 7 : index
    %swap3A_527 = arith.constant 0 : index
    %swap3A_528 = vector.load %arg2[%swap3A_526, %swap3A_527] : memref<8x1024xi32, #tpu.memory_space<vmem>>, vector<1x1024xi32>
    tpu.vector_store %arg2[%swap3A_526, %swap3A_527], %convert_element_type3A_525 {strides = array<i32>} : memref<8x1024xi32, #tpu.memory_space<vmem>>, vector<1x1024xi32>,
    return
  }
  func.func @transform_0(%arg0: i32) -> (i32, i32) {
    %c0_i32 = arith.constant 0 : i32
    %c0_i32_0 = arith.constant 0 : i32
    %c0_i32_1 = arith.constant 0 : i32
    return %c0_i32, %c0_i32_0 : i32, i32
  }
  func.func @transform_1(%arg0: i32) -> (i32, i32) {
    %c0_i32 = arith.constant 0 : i32
    %c0_i32_0 = arith.constant 0 : i32
    %c0_i32_1 = arith.constant 0 : i32
    return %c0_i32, %c0_i32_0 : i32, i32
  }
  func.func @transform_2(%arg0: i32) -> (i32, i32) {
    %c0_i32 = arith.constant 0 : i32
    %c0_i32_0 = arith.constant 0 : i32
    %c0_i32_1 = arith.constant 0 : i32
    return %c0_i32, %c0_i32_0 : i32, i32
  }
}

module attributes {stable_mosaic.version = 14 : i64} {
  func.func @_gmm_body(%arg0: i32, %arg1: memref<8x128xi32, #tpu.memory_space<smem>>, %arg2: memref<256x768xf32, #tpu.memory_space<vmem>>, %arg3: memref<1x768x768xf32, #tpu.memory_space<vmem>>, %arg4: memref<1x1x768xf32, #tpu.memory_space<vmem>>, %arg5: memref<256x768xf32, #tpu.memory_space<vmem>>) attributes {dimension_semantics = [#tpu.dimension_semantics<arbitrary>], iteration_bounds = array<i64: 96>, scalar_prefetch = 1 : i64, scratch_operands = 0 : i64, tpu.core_type = #tpu.core_type<tc>, window_params = [{transform_indices = @transform_0, window_bounds = array<i64: 256, 768>}, {transform_indices = @transform_1, window_bounds = array<i64: 1, 768, 768>}, {transform_indices = @transform_2, window_bounds = array<i64: 1, 1, 768>}, {transform_indices = @transform_3, window_bounds = array<i64: 256, 768>}]} {
    %get3A = arith.constant 0 : index
    %get3A_0 = arith.constant 0 : index
    %get3A_1 = vector.load %arg2[%get3A, %get3A_0] : memref<256x768xf32, #tpu.memory_space<vmem>>, vector<256x768xf32>
    %convert_element_type3A = arith.truncf %get3A_1 : vector<256x768xf32> to vector<256x768xbf16>
    %get3A_2 = arith.constant 0 : index
    %get3A_3 = arith.constant 0 : index
    %get3A_4 = arith.constant 0 : index
    %get3A_5 = vector.load %arg3[%get3A_2, %get3A_3, %get3A_4] : memref<1x768x768xf32, #tpu.memory_space<vmem>>, vector<1x768x768xf32>
    %get3A_6 = vector.shape_cast %get3A_5 : vector<1x768x768xf32> to vector<768x768xf32>
    %convert_element_type3A_7 = arith.truncf %get3A_6 : vector<768x768xf32> to vector<768x768xbf16>
    %dot_general3A = arith.constant dense<0.000000e+00> : vector<256x768xf32>
    %dot_general3A_8 = tpu.matmul %convert_element_type3A, %convert_element_type3A_7, %dot_general3A {dimension_numbers = #tpu.dot_dimension_numbers<[1], [0], [0], [1], [0, 0, 1, 1], [], []>, transpose_lhs_hint = false} : vector<256x768xbf16>, vector<768x768xbf16>, vector<256x768xf32> -> vector<256x768xf32>
    %get3A_9 = arith.constant 0 : index
    %get3A_10 = arith.constant 0 : index
    %get3A_11 = arith.constant 0 : index
    %get3A_12 = vector.load %arg4[%get3A_9, %get3A_10, %get3A_11] : memref<1x1x768xf32, #tpu.memory_space<vmem>>, vector<1x1x768xf32>
    %get3A_13 = vector.shape_cast %get3A_12 : vector<1x1x768xf32> to vector<1x768xf32>
    %add3A = vector.broadcast %get3A_13 : vector<1x768xf32> to vector<256x768xf32>
    %add3A_14 = arith.addf %dot_general3A_8, %add3A : vector<256x768xf32>
    %get3A_15 = arith.constant 0 : index
    %get3A_16 = arith.index_cast %arg0 : i32 to index
    %get3A_17 = memref.load %arg1[%get3A_15, %get3A_16] : memref<8x128xi32, #tpu.memory_space<smem>>
    %mul3A = arith.constant 256 : i32
    %mul3A_18 = arith.muli %get3A_17, %mul3A : i32
    %iota3A = tpu.iota {dimensions = array<i32: 0>} : vector<256x1xi32>
    %add3A_19 = vector.broadcast %mul3A_18 : i32 to vector<256x1xi32>
    %add3A_20 = arith.addi %add3A_19, %iota3A : vector<256x1xi32>
    %get3A_21 = arith.constant 2 : index
    %get3A_22 = arith.index_cast %arg0 : i32 to index
    %get3A_23 = memref.load %arg1[%get3A_21, %get3A_22] : memref<8x128xi32, #tpu.memory_space<smem>>
    %ge3A = vector.broadcast %get3A_23 : i32 to vector<256x1xi32>
    %ge3A_24 = arith.cmpi sge, %add3A_20, %ge3A : vector<256x1xi32>
    %get3A_25 = arith.constant 3 : index
    %get3A_26 = arith.index_cast %arg0 : i32 to index
    %get3A_27 = memref.load %arg1[%get3A_25, %get3A_26] : memref<8x128xi32, #tpu.memory_space<smem>>
    %lt3A = vector.broadcast %get3A_27 : i32 to vector<256x1xi32>
    %lt3A_28 = arith.cmpi slt, %add3A_20, %lt3A : vector<256x1xi32>
    %and3A = arith.andi %ge3A_24, %lt3A_28 : vector<256x1xi1>
    %get3A_29 = arith.constant 0 : index
    %get3A_30 = arith.constant 0 : index
    %get3A_31 = vector.load %arg5[%get3A_29, %get3A_30] : memref<256x768xf32, #tpu.memory_space<vmem>>, vector<256x768xf32>
    %broadcast_in_dim3A = vector.shape_cast %and3A : vector<256x1xi1> to vector<256x1xi1>
    %broadcast_in_dim3A_32 = vector.broadcast %broadcast_in_dim3A : vector<256x1xi1> to vector<256x768xi1>
    %select_n3A = arith.select %broadcast_in_dim3A_32, %add3A_14, %get3A_31 : vector<256x768xi1>, vector<256x768xf32>
    %swap3A = arith.constant 0 : index
    %swap3A_33 = arith.constant 0 : index
    %swap3A_34 = vector.load %arg5[%swap3A, %swap3A_33] : memref<256x768xf32, #tpu.memory_space<vmem>>, vector<256x768xf32>
    tpu.vector_store %arg5[%swap3A, %swap3A_33], %select_n3A {strides = array<i32>} : memref<256x768xf32, #tpu.memory_space<vmem>>, vector<256x768xf32>,
    return
  }
  func.func @transform_0(%arg0: i32, %arg1: memref<8x128xi32, #tpu.memory_space<smem>>) -> (i32, i32) {
    %get3A = arith.constant 0 : index
    %get3A_0 = arith.index_cast %arg0 : i32 to index
    %get3A_1 = memref.load %arg1[%get3A, %get3A_0] : memref<8x128xi32, #tpu.memory_space<smem>>
    %c0_i32 = arith.constant 0 : i32
    %c0_i32_2 = arith.constant 0 : i32
    return %get3A_1, %c0_i32 : i32, i32
  }
  func.func @transform_1(%arg0: i32, %arg1: memref<8x128xi32, #tpu.memory_space<smem>>) -> (i32, i32, i32) {
    %get3A = arith.constant 1 : index
    %get3A_0 = arith.index_cast %arg0 : i32 to index
    %get3A_1 = memref.load %arg1[%get3A, %get3A_0] : memref<8x128xi32, #tpu.memory_space<smem>>
    %c0_i32 = arith.constant 0 : i32
    %c0_i32_2 = arith.constant 0 : i32
    %c0_i32_3 = arith.constant 0 : i32
    return %get3A_1, %c0_i32, %c0_i32_2 : i32, i32, i32
  }
  func.func @transform_2(%arg0: i32, %arg1: memref<8x128xi32, #tpu.memory_space<smem>>) -> (i32, i32, i32) {
    %get3A = arith.constant 1 : index
    %get3A_0 = arith.index_cast %arg0 : i32 to index
    %get3A_1 = memref.load %arg1[%get3A, %get3A_0] : memref<8x128xi32, #tpu.memory_space<smem>>
    %c0_i32 = arith.constant 0 : i32
    %c0_i32_2 = arith.constant 0 : i32
    %c0_i32_3 = arith.constant 0 : i32
    return %get3A_1, %c0_i32, %c0_i32_2 : i32, i32, i32
  }
  func.func @transform_3(%arg0: i32, %arg1: memref<8x128xi32, #tpu.memory_space<smem>>) -> (i32, i32) {
    %get3A = arith.constant 0 : index
    %get3A_0 = arith.index_cast %arg0 : i32 to index
    %get3A_1 = memref.load %arg1[%get3A, %get3A_0] : memref<8x128xi32, #tpu.memory_space<smem>>
    %c0_i32 = arith.constant 0 : i32
    %c0_i32_2 = arith.constant 0 : i32
    return %get3A_1, %c0_i32 : i32, i32
  }
}

</mosaic_0001>

<sc_bundles>
// kernel: kernel.6.cloned.1.call-start
scs
__scs_entry_jumppad:
0x0: {  	(pc) =	sbr.rel $0x88, $3  }
0x1: {  	(tag) =	ssettag $0x0;
	lr =	simm.s32 $0x1  }
0x2: {  	[smem:$0x3F9D] =	sst lr;
	_ =	strace $0xD0000000  }
0x3: {  	_ = 	snop  }
0x4: {  	_ = 	snop  }
0x5: {  	_ = 	snop  }
0x6: {  	_ = 	snop  }
0x7: {  	_ = 	snop  }
__scs_overlays_trampoline_lowered:
0x8: {  	[smem:$0x3FAC] =	sst s0  }
0x9: {  	[smem:$0x3FAD] =	sst s1  }
0xa: {  	[smem:$0x3FAE] =	sst s2  }
0xb: {  	[smem:$0x3FAF] =	sst s3  }
0xc: {  	[smem:$0x3FB0] =	sst s4  }
0xd: {  	[smem:$0x3FB1] =	sst s5  }
0xe: {  	[smem:$0x3FB2] =	sst s6  }
0xf: {  	[smem:$0x3FB3] =	sst s7  }
0x10: {  	[smem:$0x3FB4] =	sst s8  }
0x11: {  	[smem:$0x3FB5] =	sst s9;
	s0 =	simm.s32 @!p0 $0x0  }
0x12: {  	s1 =	sld [smem:$0x3F9B];
	s0 =	simm.s32 @p0 $0x1  }
0x13: {  	[smem:$0x3FB6] =	sst s0;
	s0 =	simm.s32 @!p1 $0x0  }
0x14: {  	s2 =	sld [smem:$0x3F9A];
	s0 =	simm.s32 @p1 $0x1  }
0x15: {  	[smem:$0x3FB7] =	sst s0;
	s0 =	simm.s32 @!p2 $0x0  }
0x16: {  	s3 =	sld [smem:$0x3FDB];
	s0 =	simm.s32 @p2 $0x1  }
0x17: {  	s4 =	simm.s32 $0x1BF5;
	[smem:$0x3FB9] =	sst s0  }
0x18: {  	s0 =	sld [smem:$0x3F9C];
	_ =	swait.ge [sflag:s4], $0x0  }
0x19: {  	s7 =	sld [smem:$0x3F9D]  }
0x1a: {  	s8 =	sadd.s32 $0xFFFFE003, lr  }
0x1b: {  	s9 =	sadd.s32 $0xFFFFFEF7, lr;
	s5 =	simm.s32 $0xFFFFFFFF;
	p2 =	slt.u32 s8, $0xFFFFF086  }
0x1c: {  	p1 =	slt.u32 s9, $0xF7A;
	s5 =	simm.s32 @!p2 $0x0  }
0x1d: {  	s5 =	simm.s32 @p1 $0x1;
	p0 =	seq.s32 s7, s2  }
0x1e: {  	s7 =	smul.u32 @!p0 $0xF7A, s2;
	p2 =	seq.s32 @!p0 s5, $0x0  }
0x1f: {  	s9 =	smul.u32 $0xF7A, s1;
	s8 =	simm.s32 @!p0 $0x1BF5;
	p2 =	por !p2, p0  }
0x20: {  	[sflag:s8] =	ssyncset.s32 @!p0 $0xFFFFF086;
	s6 =	sadd.s32 @!p0 s3, s7;
	s7 =	simm.s32 @!p0 $0x108  }
0x21: {  	s3 =	sadd.s32 s3, s9;
	s6 =	sadd.s32 @!p0 $0x88, s6;
	s7 =	simm.s32 @p2 $0x1082  }
0x22: {  	[simem:s7], [sflag:s8] =	dma.local @!p0 [hbm:s6], $0xF7A  }
0x23: {  	s9 =	sor.u32 $0xD0000000, s2;
	s6 =	simm.s32 $0x108;
	_ =	swait.ge @!p0 [sflag:s8], $0x0  }
0x24: {  	s3 =	sadd.s32 $0x88, s3;
	s6 =	simm.s32 @!p1 $0x1082;
	[sflag:s4] =	ssyncset.s32 $0xFFFFF086  }
0x25: {  	[simem:s6], [sflag:s4] =	dma.local [hbm:s3], $0xF7A  }
0x26: {  	[smem:$0x3F9D] =	sst s1;
	(tag) =	ssettag s2;
	_ =	strace s9  }
0x27: {  	s1 =	sld [smem:$0x3FAD]  }
0x28: {  	s2 =	sld [smem:$0x3FAE]  }
0x29: {  	s4 =	sld [smem:$0x3FB0]  }
0x2a: {  	p0 =	seq.s32 s5, $0x0;
	s5 =	sld [smem:$0x3FB1]  }
0x2b: {  	s6 =	sld [smem:$0x3FB2]  }
0x2c: {  	s7 =	sld [smem:$0x3FB3]  }
0x2d: {  	s3 =	simm.s32 $0x108;
	s8 =	sld [smem:$0x3FB4]  }
0x2e: {  	s3 =	simm.s32 @!p0 $0x1082;
	s9 =	sld [smem:$0x3FB5]  }
0x2f: {  	lr =	sadd.s32 s0, s3;
	s0 =	sld [smem:$0x3FAC]  }
0x30: {  	s3 =	sld [smem:$0x3FAF]  }
0x31: {  	[smem:$0x3FB8] =	sst s10  }
0x32: {  	s10 =	sld [smem:$0x3FB6];
	_ =	sdelay $0x3  }
0x33: {  	p0 =	seq.s32 s10, $0x1;
	s10 =	sld [smem:$0x3FB8];
	_ =	sdelay $0x3  }
0x34: {  	[smem:$0x3FB8] =	sst s10  }
0x35: {  	s10 =	sld [smem:$0x3FB7];
	_ =	sdelay $0x3  }
0x36: {  	p1 =	seq.s32 s10, $0x1;
	s10 =	sld [smem:$0x3FB8];
	_ =	sdelay $0x3  }
0x37: {  	[smem:$0x3FB8] =	sst s10  }
0x38: {  	s10 =	sld [smem:$0x3FB9]  }
0x39: {  	_ = 	snop;
	(pc) =	sbr.ind lr, $3  }
0x3a: {  	_ = 	snop  }
0x3b: {  	_ = 	snop  }
0x3c: {  	p2 =	seq.s32 s10, $0x1;
	s10 =	sld [smem:$0x3FB8]  }
0x3d: {  	_ =	shalt  }
0x3e: {  	_ =	shalt  }
0x3f: {  	_ =	shalt  }
0x40: {  	_ =	shalt  }
0x41: {  	_ =	shalt  }
0x42: {  	_ =	shalt  }
0x43: {  	_ =	shalt  }
0x44: {  	_ =	shalt  }
0x45: {  	_ =	shalt  }
0x46: {  	_ =	shalt  }
0x47: {  	_ =	shalt  }
0x48: {  	_ =	shalt  }
0x49: {  	_ =	shalt  }
0x4a: {  	_ =	shalt  }
0x4b: {  	_ =	shalt  }
0x4c: {  	_ =	shalt  }
0x4d: {  	_ =	shalt  }
0x4e: {  	_ =	shalt  }
0x4f: {  	_ =	shalt  }
0x50: {  	_ =	shalt  }
0x51: {  	_ =	shalt  }
0x52: {  	_ =	shalt  }
0x53: {  	_ =	shalt  }
0x54: {  	_ =	shalt  }
0x55: {  	_ =	shalt  }
0x56: {  	_ =	shalt  }
0x57: {  	_ =	shalt  }
0x58: {  	_ =	shalt  }
0x59: {  	_ =	shalt  }
0x5a: {  	_ =	shalt  }
0x5b: {  	_ =	shalt  }
0x5c: {  	_ =	shalt  }
0x5d: {  	_ =	shalt  }
0x5e: {  	_ =	shalt  }
0x5f: {  	_ =	shalt  }
0x60: {  	_ =	shalt  }
0x61: {  	_ =	shalt  }
0x62: {  	_ =	shalt  }
0x63: {  	_ =	shalt  }
0x64: {  	_ =	shalt  }
0x65: {  	_ =	shalt  }
0x66: {  	_ =	shalt  }
0x67: {  	_ =	shalt  }
0x68: {  	_ =	shalt  }
0x69: {  	_ =	shalt  }
0x6a: {  	_ =	shalt  }
0x6b: {  	_ =	shalt  }
0x6c: {  	_ =	shalt  }
0x6d: {  	_ =	shalt  }
0x6e: {  	_ =	shalt  }
0x6f: {  	_ =	shalt  }
0x70: {  	_ =	shalt  }
0x71: {  	_ =	shalt  }
0x72: {  	_ =	shalt  }
0x73: {  	_ =	shalt  }
0x74: {  	_ =	shalt  }
0x75: {  	_ =	shalt  }
0x76: {  	_ =	shalt  }
0x77: {  	_ =	shalt  }
0x78: {  	_ =	shalt  }
0x79: {  	_ =	shalt  }
0x7a: {  	_ =	shalt  }
0x7b: {  	_ =	shalt  }
0x7c: {  	_ =	shalt  }
0x7d: {  	_ =	shalt  }
0x7e: {  	_ =	shalt  }
0x7f: {  	_ =	shalt  }
0x80: {  	_ =	shalt  }
0x81: {  	_ =	shalt  }
0x82: {  	_ =	shalt  }
0x83: {  	_ =	shalt  }
0x84: {  	_ =	shalt  }
0x85: {  	_ =	shalt  }
0x86: {  	_ =	shalt  }
0x87: {  	_ =	shalt  }
.Lfunc_end0:
.L_simem_size_0:
called_computation_lowered:
.L_overlay_start_0:
0x88: {  	s2 =	sld [smem:$0x3FD9]  }
0x89: {  	s3 =	sld [smem:$0x3FFE];
	_ =	sdelay $0x1  }
0x8a: {  	s1 =	srdreg.scid  }
0x8b: {  	s0 =	sand.u32 $0x1, s1  }
0x8c: {  	s17 =	sshll.u32 s0, $0xA;
	s2 =	sadd.s32 s3, s2  }
0x8d: {  	s2 =	sadd.s32 s2, s17  }
0x8e: {  	[smem:$0x3FC4] =	sst s2  }
0x8f: {  	_ = 	snop  }
0x90: {  	s2 =	sld [smem:$0x3FC9]  }
0x91: {  	s18 =	sld [smem:$0x3FD0];
	(tm) =	ssettm $0x1  }
0x92: {  	s4 =	sld [smem:$0x3FFB];
	_ =	sdelay $0x3  }
0x93: {  	_ =	strace s4  }
0x94: {  	s4 =	sld [smem:$0x3FFC];
	_ =	sdelay $0x3  }
0x95: {  	_ =	strace s4  }
0x96: {  	s4 =	sld [smem:$0x3FFD];
	_ =	sdelay $0x3  }
0x97: {  	_ =	strace s4  }
0x98: {  	_ =	strace $0x8FFFFFFF  }
0x99: {  	s19 =	sld [smem:$0x3FDB];
	_ =	sdelay $0x1  }
0x9a: {  	s5 =	simm.s32 $_scs_section_size  }
0x9b: {  	s6 =	simm.s32 $_size__tile_overlayer_lowered;
	s7 =	simm.s32 $_tile_overlayer_lowered  }
0x9c: {  	s22 =	simm.s32 $0x1BFF;
	s21 =	sshll.u32 s7, $0x1;
	s4 =	sadd.s32 s5, s19  }
0x9d: {  	s8 =	simm.s32 $0x0;
	s20 =	sshll.u32 s6, $0x1;
	s6 =	sadd.s32 s21, s4  }
0x9e: {  	[timem:s8], [sflag:s22] =	dma.local [hbm:s6], s20  }
0x9f: {  	_ =	swait.ge [sflag:s22], s20  }
0xa0: {  	s5 =	ssub.s32 $0x0, s20;
	[sflag:s22] =	ssyncset.done $0x0  }
0xa1: {  	[sflag:s22] =	ssyncadd.s32 s5;
	_ =	sdelay $0x1  }
0xa2: {  	s23 =	simm.s32 $0x1B8B  }
0xa3: {  	_ =	swait.ge [sflag:s23], $0x1  }
0xa4: {  	[sflag:s23] =	ssyncset.done $0x0  }
0xa5: {  	s25 =	simm.s32 $0x1B8E;
	s24 =	sld [smem:$0x3FFE];
	[sflag:s23] =	ssyncadd.s32 $0xFFFFFFFF  }
0xa6: {  	s26 =	simm.s32 $execute0_lowered;
	[smem:$0x3FD2] =	sst s25  }
0xa7: {  	s6 =	sshll.u32 s26, $0x1;
	_ =	strace $0x80000046;
	[dreg:$0x1] =	wrdreg $0xFFFFFFFF  }
0xa8: {  	s28 =	simm.s32 $_size_execute0_lowered;
	s4 =	sadd.s32 s4, s6;
	[dreg:$0x0] =	wrdreg $0x0  }
0xa9: {  	s6 =	sshll.u32 s28, $0x1;
	[dreg:$0x2] =	wrdreg s4  }
0xaa: {  	[dreg:$0x3] =	wrdreg s6  }
0xab: {  	[dreg:$0x4] =	wrdreg $0xC0  }
0xac: {  	_ =	task [dreg:s8], $0x5FFFF  }
0xad: {  	[dreg:$0x1] =	wrdreg $0xFFFFFFFF  }
0xae: {  	[dreg:$0x0] =	wrdreg $0x60  }
0xaf: {  	[dreg:$0x2] =	wrdreg s2  }
0xb0: {  	[dreg:$0x3] =	wrdreg s24  }
0xb1: {  	[dreg:$0x4] =	wrdreg s18  }
0xb2: {  	[dreg:$0x5] =	wrdreg $0x9  }
0xb3: {  	_ =	task.clear_ibuf [dreg:s8], $0x6FFFF;
	_ =	strace $0x90000046  }
0xb4: {  	s29 =	simm.s32 $0x9;
	_ =	strace $0x80000048  }
0xb5: {  	_ =	swait.ge [sflag:s29], $0x1  }
0xb6: {  	[sflag:s29] =	ssyncadd.s32 $0xFFFFFFFF  }
0xb7: {  	_ =	strace $0x90000048  }
0xb8: {  	_ =	sfence  }
0xb9: {  	s30 =	sld [smem:$0x0];
	_ =	sdelay $0x2  }
0xba: {  	s31 =	sshll.u32 s1, $0xD;
	s1 =	sshrl.u32 s1, $0x2  }
0xbb: {  	s3 =	sand.u32 $0x4000, s31;
	s1 =	sadd.s32 s1, s30  }
0xbc: {  	s0 =	sor.u32 s3, s0;
	s1 =	sshll.u32 s1, $0x11  }
0xbd: {  	s0 =	sor.u32 s1, s0  }
0xbe: {  	s0 =	sadd.s32 $0x8F2B, s0  }
0xbf: {  	[sflag:s0] =	ssyncadd.remote.s32 $0x1  }
0xc0: {  	_ =	sfence.sel $0xFFFF  }
0xc1: {  	[dreg:$0x0] =	wrdreg $0xFFFFFFFF;
	(pc) =	sbr.abs _section_cstart, $3  }
0xc2: {  	[dreg:$0x1] =	wrdreg $0xFFFFFFFF  }
0xc3: {  	_ =	task.clear_ibuf [dreg:s8], $0x2FFFF;
	_ =	strace $0x9FFFFFFF  }
0xc4: {  	(tm) =	ssettm $0x7FFFFFFF  }
0xc5: {  	_ =	shalt  }
tec
execute0_lowered:
.L_overlay_start_1:
0x0: {  	(tag) =	ssettag $0x1  }
0x1: {  	s0 =	rddreg [dreg:$0x0]  }
0x2: {  	s1 =	rddreg [dreg:$0x1]  }
0x3: {  	s2 =	rddreg [dreg:$0x2]  }
0x4: {  	s3 =	srdreg.scid;
	s5 =	stileid.u32  }
0x5: {  	s10 =	simm.s32 $0x880;
	s11 =	simm.s32 $0x1080;
	s12 =	simm.s32 $0x1880  }
0x6: {  	s13 =	simm.s32 $0x2080;
	s14 =	simm.s32 $0x2880;
	s15 =	simm.s32 $0x3080  }
0x7: {  	s16 =	simm.s32 $0x3880;
	s17 =	simm.s32 $0x4080;
	s18 =	simm.s32 $0x4880  }
0x8: {  	s19 =	simm.s32 $0x5080;
	s20 =	simm.s32 $0x5880;
	s21 =	simm.s32 $0x6080  }
0x9: {  	s22 =	simm.s32 $0x6880;
	s23 =	simm.s32 $0x7080;
	s24 =	simm.s32 $0x7880  }
0xa: {  	s28 =	simm.s32 $0x9080;
	s29 =	simm.s32 $0x9880;
	s30 =	simm.s32 $0xA080  }
0xb: {  	s31 =	simm.s32 $0xA880;
	s4 =	sand.u32 $0x1, s3;
	s3 =	simm.s32 $0x0  }
0xc: {  	s5 =	sshll.u32 s5, $0x6;
	s1 =	sadd.s32 $0xC00, s1;
	s6 =	sshll.u32 s4, $0x5  }
0xd: {  	[smem:$0x7FF] =	sst s3;
	s4 =	ssub.s32 $0x2, s4;
	s5 =	sor.u32 s6, s5  }
0xe: {  	_ =	strace $0x80000047;
	s8 =	sshrl.u32 s4, $0x1;
	s6 =	smul.u32 $0x300, s5  }
0xf: {  	s7 =	sadd.s32 s1, s5;
	s5 =	sor.u32 $0x10, s5;
	s26 =	ssub.s32 s4, s8  }
0x10: {  	s4 =	sadd.s32 $0x100, s2;
	[dreg:$0x4] =	wrdreg s7;
	s25 =	smul.u32 $0x300, s5  }
0x11: {  	s1 =	sadd.s32 s1, s5;
	s5 =	sadd.s32 $0x200, s2;
	s7 =	simm.s32 $0x2  }
0x12: {  	v2 =	vlaneseq.u32;
	s6 =	sadd.s32 s0, s6;
	[dreg:$0x6] =	wrdreg s1;
	s1 =	simm.s32 $0x1  }
0x13: {  	vm0 =	vmmov $0xffff;
	v1 =	vshrl.u32 v2, $0x3;
	[dreg:$0x5] =	wrdreg s6;
	s0 =	sadd.s32 s0, s25;
	s6 =	smax.u32 s26, $0x1  }
0x14: {  	v0 =	vand.u32 $0x7, v2;
	v2 =	vor.u32 $0x8, v2;
	v1 =	vmul.u32 $0x8, v1;
	s25 =	simm.s32 $0x8080;
	s26 =	simm.s32 $0x8880;
	[dreg:$0x7] =	wrdreg s0  }
.LBB2_1:
0x15: {  	s9 =	rddreg [dreg:$0x4]  }
0x16: {  	[tilespmem:s3], [sflag:$0x2] =	stream.linear.gather [hbm4b:s9+s3], $0x80, $0x38;
	[tilespmem:$0x18080] =	vst v63  }
0x17: {  	_ =	swait.ge [sflag:s7], $0x80  }
0x18: {  	[sflag:s7] =	ssyncset.done $0x0  }
0x19: {  	s0 =	simm.s32 $0x80;
	s8 =	rddreg [dreg:$0x5];
	[sflag:s7] =	ssyncadd.s32 $0xFFFFFF80  }
0x1a: {  	[tilespmem:s0], [sflag:$0x2] =	stream.linear.gather [hbm4b:s8+s3], $0x18000, $0x38;
	[tilespmem:$0x18080] =	vst v63  }
0x1b: {  	_ =	swait.ge [sflag:s7], $0x18000  }
0x1c: {  	[sflag:s7] =	ssyncset.done $0x0  }
0x1d: {  	[sflag:s7] =	ssyncadd.s32 $0xFFFE8000  }
0x1e: {  	v3 =	vld [tilespmem:$0x0];
	_ =	sdelay $0x4  }
0x1f: {  	v4 =	vshrl.u32 v3, $0x3  }
0x20: {  	v4 =	vmul.u32 $0x30, v4  }
0x21: {  	v3 =	vand.u32 $0x7, v3  }
0x22: {  	v3 =	vor.u32 v3, v4  }
0x23: {  	v4 =	vperm.xlane v3, v0;
	_ =	sdelay $0x1  }
0x24: {  	v4 =	vadd.s32 v1, v4;
	_ =	sdelay $0x3  }
0x25: {  	v3 =	vperm.xlane v3, v2  }
0x26: {  	[hbm4b:s2+s3] =	stream.indirect_vreg.scatter [tilespmem:s0], [sflag:$0x1], $0x80, v4, vm0, $0xb8;
	[tilespmem:$0x18080] =	vst v63  }
0x27: {  	v3 =	vadd.s32 v1, v3  }
0x28: {  	[hbm4b:s4+s3] =	stream.indirect_vreg.scatter [tilespmem:s10], [sflag:$0x1], $0x80, v4, vm0, $0xb8;
	[tilespmem:$0x18080] =	vst v63  }
0x29: {  	_ = 	snop  }
0x2a: {  	[hbm4b:s5+s3] =	stream.indirect_vreg.scatter [tilespmem:s11], [sflag:$0x1], $0x80, v4, vm0, $0xb8;
	[tilespmem:$0x18080] =	vst v63  }
0x2b: {  	_ = 	snop  }
0x2c: {  	[hbm4b:s2+s3] =	stream.indirect_vreg.scatter [tilespmem:s12], [sflag:$0x1], $0x80, v3, vm0, $0xb8;
	[tilespmem:$0x18080] =	vst v63  }
0x2d: {  	_ = 	snop  }
0x2e: {  	[hbm4b:s4+s3] =	stream.indirect_vreg.scatter [tilespmem:s13], [sflag:$0x1], $0x80, v3, vm0, $0xb8;
	[tilespmem:$0x18080] =	vst v63  }
0x2f: {  	_ = 	snop  }
0x30: {  	[hbm4b:s5+s3] =	stream.indirect_vreg.scatter [tilespmem:s14], [sflag:$0x1], $0x80, v3, vm0, $0xb8;
	[tilespmem:$0x18080] =	vst v63  }
0x31: {  	v3 =	vld [tilespmem:$0x10];
	_ =	sdelay $0x4  }
0x32: {  	v49 =	vshrl.u32 v3, $0x3  }
0x33: {  	v4 =	vmul.u32 $0x30, v49  }
0x34: {  	v3 =	vand.u32 $0x7, v3  }
0x35: {  	v3 =	vor.u32 v3, v4  }
0x36: {  	v4 =	vperm.xlane v3, v0;
	_ =	sdelay $0x1  }
0x37: {  	v4 =	vadd.s32 v1, v4;
	_ =	sdelay $0x3  }
0x38: {  	v3 =	vperm.xlane v3, v2  }
0x39: {  	[hbm4b:s2+s3] =	stream.indirect_vreg.scatter [tilespmem:s15], [sflag:$0x1], $0x80, v4, vm0, $0xb8;
	[tilespmem:$0x18080] =	vst v63  }
0x3a: {  	v3 =	vadd.s32 v1, v3  }
0x3b: {  	[hbm4b:s4+s3] =	stream.indirect_vreg.scatter [tilespmem:s16], [sflag:$0x1], $0x80, v4, vm0, $0xb8;
	[tilespmem:$0x18080] =	vst v63  }
0x3c: {  	_ = 	snop  }
0x3d: {  	[hbm4b:s5+s3] =	stream.indirect_vreg.scatter [tilespmem:s17], [sflag:$0x1], $0x80, v4, vm0, $0xb8;
	[tilespmem:$0x18080] =	vst v63  }
0x3e: {  	_ = 	snop  }
0x3f: {  	[hbm4b:s2+s3] =	stream.indirect_vreg.scatter [tilespmem:s18], [sflag:$0x1], $0x80, v3, vm0, $0xb8;
	[tilespmem:$0x18080] =	vst v63  }
0x40: {  	_ = 	snop  }
0x41: {  	[hbm4b:s4+s3] =	stream.indirect_vreg.scatter [tilespmem:s19], [sflag:$0x1], $0x80, v3, vm0, $0xb8;
	[tilespmem:$0x18080] =	vst v63  }
0x42: {  	_ = 	snop  }
0x43: {  	[hbm4b:s5+s3] =	stream.indirect_vreg.scatter [tilespmem:s20], [sflag:$0x1], $0x80, v3, vm0, $0xb8;
	[tilespmem:$0x18080] =	vst v63  }
0x44: {  	v3 =	vld [tilespmem:$0x20];
	_ =	sdelay $0x4  }
0x45: {  	v50 =	vshrl.u32 v3, $0x3  }
0x46: {  	v4 =	vmul.u32 $0x30, v50  }
0x47: {  	v3 =	vand.u32 $0x7, v3  }
0x48: {  	v3 =	vor.u32 v3, v4  }
0x49: {  	v4 =	vperm.xlane v3, v0;
	_ =	sdelay $0x1  }
0x4a: {  	v4 =	vadd.s32 v1, v4;
	_ =	sdelay $0x3  }
0x4b: {  	v3 =	vperm.xlane v3, v2  }
0x4c: {  	[hbm4b:s2+s3] =	stream.indirect_vreg.scatter [tilespmem:s21], [sflag:$0x1], $0x80, v4, vm0, $0xb8;
	[tilespmem:$0x18080] =	vst v63  }
0x4d: {  	v3 =	vadd.s32 v1, v3  }
0x4e: {  	[hbm4b:s4+s3] =	stream.indirect_vreg.scatter [tilespmem:s22], [sflag:$0x1], $0x80, v4, vm0, $0xb8;
	[tilespmem:$0x18080] =	vst v63  }
0x4f: {  	_ = 	snop  }
0x50: {  	[hbm4b:s5+s3] =	stream.indirect_vreg.scatter [tilespmem:s23], [sflag:$0x1], $0x80, v4, vm0, $0xb8;
	[tilespmem:$0x18080] =	vst v63  }
0x51: {  	_ = 	snop  }
0x52: {  	[hbm4b:s2+s3] =	stream.indirect_vreg.scatter [tilespmem:s24], [sflag:$0x1], $0x80, v3, vm0, $0xb8;
	[tilespmem:$0x18080] =	vst v63  }
0x53: {  	_ = 	snop  }
0x54: {  	[hbm4b:s4+s3] =	stream.indirect_vreg.scatter [tilespmem:s25], [sflag:$0x1], $0x80, v3, vm0, $0xb8;
	[tilespmem:$0x18080] =	vst v63  }
0x55: {  	_ = 	snop  }
0x56: {  	[hbm4b:s5+s3] =	stream.indirect_vreg.scatter [tilespmem:s26], [sflag:$0x1], $0x80, v3, vm0, $0xb8;
	[tilespmem:$0x18080] =	vst v63  }
0x57: {  	v3 =	vld [tilespmem:$0x30];
	_ =	sdelay $0x4  }
0x58: {  	v51 =	vshrl.u32 v3, $0x3  }
0x59: {  	v4 =	vmul.u32 $0x30, v51  }
0x5a: {  	v3 =	vand.u32 $0x7, v3  }
0x5b: {  	v3 =	vor.u32 v3, v4  }
0x5c: {  	v4 =	vperm.xlane v3, v0;
	_ =	sdelay $0x1  }
0x5d: {  	v4 =	vadd.s32 v1, v4;
	_ =	sdelay $0x3  }
0x5e: {  	v3 =	vperm.xlane v3, v2  }
0x5f: {  	[hbm4b:s2+s3] =	stream.indirect_vreg.scatter [tilespmem:s28], [sflag:$0x1], $0x80, v4, vm0, $0xb8;
	[tilespmem:$0x18080] =	vst v63  }
0x60: {  	v3 =	vadd.s32 v1, v3  }
0x61: {  	[hbm4b:s4+s3] =	stream.indirect_vreg.scatter [tilespmem:s29], [sflag:$0x1], $0x80, v4, vm0, $0xb8;
	[tilespmem:$0x18080] =	vst v63  }
0x62: {  	_ = 	snop  }
0x63: {  	[hbm4b:s5+s3] =	stream.indirect_vreg.scatter [tilespmem:s30], [sflag:$0x1], $0x80, v4, vm0, $0xb8;
	[tilespmem:$0x18080] =	vst v63  }
0x64: {  	_ = 	snop  }
0x65: {  	[hbm4b:s2+s3] =	stream.indirect_vreg.scatter [tilespmem:s31], [sflag:$0x1], $0x80, v3, vm0, $0xb8;
	[tilespmem:$0x18080] =	vst v63  }
0x66: {  	s8 =	simm.s32 $0xB080  }
0x67: {  	[hbm4b:s4+s3] =	stream.indirect_vreg.scatter [tilespmem:s8], [sflag:$0x1], $0x80, v3, vm0, $0xb8;
	[tilespmem:$0x18080] =	vst v63  }
0x68: {  	s8 =	simm.s32 $0xB880  }
0x69: {  	[hbm4b:s5+s3] =	stream.indirect_vreg.scatter [tilespmem:s8], [sflag:$0x1], $0x80, v3, vm0, $0xb8;
	[tilespmem:$0x18080] =	vst v63  }
0x6a: {  	v3 =	vld [tilespmem:$0x40];
	_ =	sdelay $0x4  }
0x6b: {  	v52 =	vshrl.u32 v3, $0x3  }
0x6c: {  	v4 =	vmul.u32 $0x30, v52  }
0x6d: {  	v3 =	vand.u32 $0x7, v3  }
0x6e: {  	v3 =	vor.u32 v3, v4  }
0x6f: {  	v4 =	vperm.xlane v3, v0;
	_ =	sdelay $0x1  }
0x70: {  	v4 =	vadd.s32 v1, v4;
	_ =	sdelay $0x3  }
0x71: {  	s9 =	simm.s32 $0xC080;
	v3 =	vperm.xlane v3, v2  }
0x72: {  	[hbm4b:s2+s3] =	stream.indirect_vreg.scatter [tilespmem:s9], [sflag:$0x1], $0x80, v4, vm0, $0xb8;
	[tilespmem:$0x18080] =	vst v63  }
0x73: {  	v3 =	vadd.s32 v1, v3;
	s9 =	simm.s32 $0xC880  }
0x74: {  	[hbm4b:s4+s3] =	stream.indirect_vreg.scatter [tilespmem:s9], [sflag:$0x1], $0x80, v4, vm0, $0xb8;
	[tilespmem:$0x18080] =	vst v63  }
0x75: {  	s9 =	simm.s32 $0xD080  }
0x76: {  	[hbm4b:s5+s3] =	stream.indirect_vreg.scatter [tilespmem:s9], [sflag:$0x1], $0x80, v4, vm0, $0xb8;
	[tilespmem:$0x18080] =	vst v63  }
0x77: {  	s9 =	simm.s32 $0xD880  }
0x78: {  	[hbm4b:s2+s3] =	stream.indirect_vreg.scatter [tilespmem:s9], [sflag:$0x1], $0x80, v3, vm0, $0xb8;
	[tilespmem:$0x18080] =	vst v63  }
0x79: {  	s9 =	simm.s32 $0xE080  }
0x7a: {  	[hbm4b:s4+s3] =	stream.indirect_vreg.scatter [tilespmem:s9], [sflag:$0x1], $0x80, v3, vm0, $0xb8;
	[tilespmem:$0x18080] =	vst v63  }
0x7b: {  	s9 =	simm.s32 $0xE880  }
0x7c: {  	[hbm4b:s5+s3] =	stream.indirect_vreg.scatter [tilespmem:s9], [sflag:$0x1], $0x80, v3, vm0, $0xb8;
	[tilespmem:$0x18080] =	vst v63  }
0x7d: {  	v3 =	vld [tilespmem:$0x50];
	_ =	sdelay $0x4  }
0x7e: {  	v53 =	vshrl.u32 v3, $0x3  }
0x7f: {  	v4 =	vmul.u32 $0x30, v53  }
0x80: {  	v3 =	vand.u32 $0x7, v3  }
0x81: {  	v3 =	vor.u32 v3, v4  }
0x82: {  	v4 =	vperm.xlane v3, v0;
	_ =	sdelay $0x1  }
0x83: {  	v4 =	vadd.s32 v1, v4;
	_ =	sdelay $0x3  }
0x84: {  	s9 =	simm.s32 $0xF080;
	v3 =	vperm.xlane v3, v2  }
0x85: {  	[hbm4b:s2+s3] =	stream.indirect_vreg.scatter [tilespmem:s9], [sflag:$0x1], $0x80, v4, vm0, $0xb8;
	[tilespmem:$0x18080] =	vst v63  }
0x86: {  	v3 =	vadd.s32 v1, v3;
	s9 =	simm.s32 $0xF880  }
0x87: {  	[hbm4b:s4+s3] =	stream.indirect_vreg.scatter [tilespmem:s9], [sflag:$0x1], $0x80, v4, vm0, $0xb8;
	[tilespmem:$0x18080] =	vst v63  }
0x88: {  	s9 =	simm.s32 $0x10080  }
0x89: {  	[hbm4b:s5+s3] =	stream.indirect_vreg.scatter [tilespmem:s9], [sflag:$0x1], $0x80, v4, vm0, $0xb8;
	[tilespmem:$0x18080] =	vst v63  }
0x8a: {  	s9 =	simm.s32 $0x10880  }
0x8b: {  	[hbm4b:s2+s3] =	stream.indirect_vreg.scatter [tilespmem:s9], [sflag:$0x1], $0x80, v3, vm0, $0xb8;
	[tilespmem:$0x18080] =	vst v63  }
0x8c: {  	s9 =	simm.s32 $0x11080  }
0x8d: {  	[hbm4b:s4+s3] =	stream.indirect_vreg.scatter [tilespmem:s9], [sflag:$0x1], $0x80, v3, vm0, $0xb8;
	[tilespmem:$0x18080] =	vst v63  }
0x8e: {  	s9 =	simm.s32 $0x11880  }
0x8f: {  	[hbm4b:s5+s3] =	stream.indirect_vreg.scatter [tilespmem:s9], [sflag:$0x1], $0x80, v3, vm0, $0xb8;
	[tilespmem:$0x18080] =	vst v63  }
0x90: {  	v3 =	vld [tilespmem:$0x60];
	_ =	sdelay $0x4  }
0x91: {  	v54 =	vshrl.u32 v3, $0x3  }
0x92: {  	v4 =	vmul.u32 $0x30, v54  }
0x93: {  	v3 =	vand.u32 $0x7, v3  }
0x94: {  	v3 =	vor.u32 v3, v4  }
0x95: {  	v4 =	vperm.xlane v3, v0;
	_ =	sdelay $0x1  }
0x96: {  	v4 =	vadd.s32 v1, v4;
	_ =	sdelay $0x3  }
0x97: {  	s9 =	simm.s32 $0x12080;
	v3 =	vperm.xlane v3, v2  }
0x98: {  	[hbm4b:s2+s3] =	stream.indirect_vreg.scatter [tilespmem:s9], [sflag:$0x1], $0x80, v4, vm0, $0xb8;
	[tilespmem:$0x18080] =	vst v63  }
0x99: {  	v3 =	vadd.s32 v1, v3;
	s9 =	simm.s32 $0x12880  }
0x9a: {  	[hbm4b:s4+s3] =	stream.indirect_vreg.scatter [tilespmem:s9], [sflag:$0x1], $0x80, v4, vm0, $0xb8;
	[tilespmem:$0x18080] =	vst v63  }
0x9b: {  	s9 =	simm.s32 $0x13080  }
0x9c: {  	[hbm4b:s5+s3] =	stream.indirect_vreg.scatter [tilespmem:s9], [sflag:$0x1], $0x80, v4, vm0, $0xb8;
	[tilespmem:$0x18080] =	vst v63  }
0x9d: {  	s9 =	simm.s32 $0x13880  }
0x9e: {  	[hbm4b:s2+s3] =	stream.indirect_vreg.scatter [tilespmem:s9], [sflag:$0x1], $0x80, v3, vm0, $0xb8;
	[tilespmem:$0x18080] =	vst v63  }
0x9f: {  	s9 =	simm.s32 $0x14080  }
0xa0: {  	[hbm4b:s4+s3] =	stream.indirect_vreg.scatter [tilespmem:s9], [sflag:$0x1], $0x80, v3, vm0, $0xb8;
	[tilespmem:$0x18080] =	vst v63  }
0xa1: {  	s9 =	simm.s32 $0x14880  }
0xa2: {  	[hbm4b:s5+s3] =	stream.indirect_vreg.scatter [tilespmem:s9], [sflag:$0x1], $0x80, v3, vm0, $0xb8;
	[tilespmem:$0x18080] =	vst v63  }
0xa3: {  	v3 =	vld [tilespmem:$0x70];
	_ =	sdelay $0x4  }
0xa4: {  	v55 =	vshrl.u32 v3, $0x3  }
0xa5: {  	v4 =	vmul.u32 $0x30, v55  }
0xa6: {  	v3 =	vand.u32 $0x7, v3  }
0xa7: {  	v3 =	vor.u32 v3, v4  }
0xa8: {  	v4 =	vperm.xlane v3, v0;
	_ =	sdelay $0x1  }
0xa9: {  	v4 =	vadd.s32 v1, v4;
	_ =	sdelay $0x3  }
0xaa: {  	s9 =	simm.s32 $0x15080;
	v3 =	vperm.xlane v3, v2  }
0xab: {  	[hbm4b:s2+s3] =	stream.indirect_vreg.scatter [tilespmem:s9], [sflag:$0x1], $0x80, v4, vm0, $0xb8;
	[tilespmem:$0x18080] =	vst v63  }
0xac: {  	v3 =	vadd.s32 v1, v3;
	s9 =	simm.s32 $0x15880  }
0xad: {  	[hbm4b:s4+s3] =	stream.indirect_vreg.scatter [tilespmem:s9], [sflag:$0x1], $0x80, v4, vm0, $0xb8;
	[tilespmem:$0x18080] =	vst v63  }
0xae: {  	s9 =	simm.s32 $0x16080  }
0xaf: {  	[hbm4b:s5+s3] =	stream.indirect_vreg.scatter [tilespmem:s9], [sflag:$0x1], $0x80, v4, vm0, $0xb8;
	[tilespmem:$0x18080] =	vst v63  }
0xb0: {  	s9 =	simm.s32 $0x16880  }
0xb1: {  	[hbm4b:s2+s3] =	stream.indirect_vreg.scatter [tilespmem:s9], [sflag:$0x1], $0x80, v3, vm0, $0xb8;
	[tilespmem:$0x18080] =	vst v63  }
0xb2: {  	s9 =	simm.s32 $0x17080  }
0xb3: {  	[hbm4b:s4+s3] =	stream.indirect_vreg.scatter [tilespmem:s9], [sflag:$0x1], $0x80, v3, vm0, $0xb8;
	[tilespmem:$0x18080] =	vst v63  }
0xb4: {  	s9 =	simm.s32 $0x17880  }
0xb5: {  	[hbm4b:s5+s3] =	stream.indirect_vreg.scatter [tilespmem:s9], [sflag:$0x1], $0x80, v3, vm0, $0xb8;
	[tilespmem:$0x18080] =	vst v63  }
0xb6: {  	_ =	swait.ge [sflag:s1], $0x18000  }
0xb7: {  	[sflag:s1] =	ssyncset.done $0x0  }
0xb8: {  	s9 =	rddreg [dreg:$0x6];
	[sflag:s1] =	ssyncadd.s32 $0xFFFE8000  }
0xb9: {  	[tilespmem:s3], [sflag:$0x2] =	stream.linear.gather [hbm4b:s9+s3], $0x80, $0x38;
	[tilespmem:$0x18080] =	vst v63  }
0xba: {  	_ =	swait.ge [sflag:s7], $0x80  }
0xbb: {  	[sflag:s7] =	ssyncset.done $0x0  }
0xbc: {  	s9 =	rddreg [dreg:$0x7];
	[sflag:s7] =	ssyncadd.s32 $0xFFFFFF80  }
0xbd: {  	[tilespmem:s0], [sflag:$0x2] =	stream.linear.gather [hbm4b:s9+s3], $0x18000, $0x38;
	[tilespmem:$0x18080] =	vst v63  }
0xbe: {  	_ =	swait.ge [sflag:s7], $0x18000  }
0xbf: {  	[sflag:s7] =	ssyncset.done $0x0  }
0xc0: {  	[sflag:s7] =	ssyncadd.s32 $0xFFFE8000  }
0xc1: {  	v3 =	vld [tilespmem:$0x0];
	_ =	sdelay $0x4  }
0xc2: {  	v56 =	vshrl.u32 v3, $0x3  }
0xc3: {  	v4 =	vmul.u32 $0x30, v56  }
0xc4: {  	v3 =	vand.u32 $0x7, v3  }
0xc5: {  	v3 =	vor.u32 v3, v4  }
0xc6: {  	v4 =	vperm.xlane v3, v0;
	_ =	sdelay $0x1  }
0xc7: {  	v4 =	vadd.s32 v1, v4;
	_ =	sdelay $0x3  }
0xc8: {  	v3 =	vperm.xlane v3, v2  }
0xc9: {  	[hbm4b:s2+s3] =	stream.indirect_vreg.scatter [tilespmem:s0], [sflag:$0x1], $0x80, v4, vm0, $0xb8;
	[tilespmem:$0x18080] =	vst v63  }
0xca: {  	v3 =	vadd.s32 v1, v3  }
0xcb: {  	[hbm4b:s4+s3] =	stream.indirect_vreg.scatter [tilespmem:s10], [sflag:$0x1], $0x80, v4, vm0, $0xb8;
	[tilespmem:$0x18080] =	vst v63  }
0xcc: {  	_ = 	snop  }
0xcd: {  	[hbm4b:s5+s3] =	stream.indirect_vreg.scatter [tilespmem:s11], [sflag:$0x1], $0x80, v4, vm0, $0xb8;
	[tilespmem:$0x18080] =	vst v63  }
0xce: {  	_ = 	snop  }
0xcf: {  	[hbm4b:s2+s3] =	stream.indirect_vreg.scatter [tilespmem:s12], [sflag:$0x1], $0x80, v3, vm0, $0xb8;
	[tilespmem:$0x18080] =	vst v63  }
0xd0: {  	_ = 	snop  }
0xd1: {  	[hbm4b:s4+s3] =	stream.indirect_vreg.scatter [tilespmem:s13], [sflag:$0x1], $0x80, v3, vm0, $0xb8;
	[tilespmem:$0x18080] =	vst v63  }
0xd2: {  	_ = 	snop  }
0xd3: {  	[hbm4b:s5+s3] =	stream.indirect_vreg.scatter [tilespmem:s14], [sflag:$0x1], $0x80, v3, vm0, $0xb8;
	[tilespmem:$0x18080] =	vst v63  }
0xd4: {  	v3 =	vld [tilespmem:$0x10];
	_ =	sdelay $0x4  }
0xd5: {  	v57 =	vshrl.u32 v3, $0x3  }
0xd6: {  	v4 =	vmul.u32 $0x30, v57  }
0xd7: {  	v3 =	vand.u32 $0x7, v3  }
0xd8: {  	v3 =	vor.u32 v3, v4  }
0xd9: {  	v4 =	vperm.xlane v3, v0;
	_ =	sdelay $0x1  }
0xda: {  	v4 =	vadd.s32 v1, v4;
	_ =	sdelay $0x3  }
0xdb: {  	v3 =	vperm.xlane v3, v2  }
0xdc: {  	[hbm4b:s2+s3] =	stream.indirect_vreg.scatter [tilespmem:s15], [sflag:$0x1], $0x80, v4, vm0, $0xb8;
	[tilespmem:$0x18080] =	vst v63  }
0xdd: {  	v3 =	vadd.s32 v1, v3  }
0xde: {  	[hbm4b:s4+s3] =	stream.indirect_vreg.scatter [tilespmem:s16], [sflag:$0x1], $0x80, v4, vm0, $0xb8;
	[tilespmem:$0x18080] =	vst v63  }
0xdf: {  	_ = 	snop  }
0xe0: {  	[hbm4b:s5+s3] =	stream.indirect_vreg.scatter [tilespmem:s17], [sflag:$0x1], $0x80, v4, vm0, $0xb8;
	[tilespmem:$0x18080] =	vst v63  }
0xe1: {  	_ = 	snop  }
0xe2: {  	[hbm4b:s2+s3] =	stream.indirect_vreg.scatter [tilespmem:s18], [sflag:$0x1], $0x80, v3, vm0, $0xb8;
	[tilespmem:$0x18080] =	vst v63  }
0xe3: {  	_ = 	snop  }
0xe4: {  	[hbm4b:s4+s3] =	stream.indirect_vreg.scatter [tilespmem:s19], [sflag:$0x1], $0x80, v3, vm0, $0xb8;
	[tilespmem:$0x18080] =	vst v63  }
0xe5: {  	_ = 	snop  }
0xe6: {  	[hbm4b:s5+s3] =	stream.indirect_vreg.scatter [tilespmem:s20], [sflag:$0x1], $0x80, v3, vm0, $0xb8;
	[tilespmem:$0x18080] =	vst v63  }
0xe7: {  	v3 =	vld [tilespmem:$0x20];
	_ =	sdelay $0x4  }
0xe8: {  	v58 =	vshrl.u32 v3, $0x3  }
0xe9: {  	v4 =	vmul.u32 $0x30, v58  }
0xea: {  	v3 =	vand.u32 $0x7, v3  }
0xeb: {  	v3 =	vor.u32 v3, v4  }
0xec: {  	v4 =	vperm.xlane v3, v0;
	_ =	sdelay $0x1  }
0xed: {  	v4 =	vadd.s32 v1, v4;
	_ =	sdelay $0x3  }
0xee: {  	v3 =	vperm.xlane v3, v2  }
0xef: {  	[hbm4b:s2+s3] =	stream.indirect_vreg.scatter [tilespmem:s21], [sflag:$0x1], $0x80, v4, vm0, $0xb8;
	[tilespmem:$0x18080] =	vst v63  }
0xf0: {  	v3 =	vadd.s32 v1, v3  }
0xf1: {  	[hbm4b:s4+s3] =	stream.indirect_vreg.scatter [tilespmem:s22], [sflag:$0x1], $0x80, v4, vm0, $0xb8;
	[tilespmem:$0x18080] =	vst v63  }
0xf2: {  	_ = 	snop  }
0xf3: {  	[hbm4b:s5+s3] =	stream.indirect_vreg.scatter [tilespmem:s23], [sflag:$0x1], $0x80, v4, vm0, $0xb8;
	[tilespmem:$0x18080] =	vst v63  }
0xf4: {  	_ = 	snop  }
0xf5: {  	[hbm4b:s2+s3] =	stream.indirect_vreg.scatter [tilespmem:s24], [sflag:$0x1], $0x80, v3, vm0, $0xb8;
	[tilespmem:$0x18080] =	vst v63  }
0xf6: {  	_ = 	snop  }
0xf7: {  	[hbm4b:s4+s3] =	stream.indirect_vreg.scatter [tilespmem:s25], [sflag:$0x1], $0x80, v3, vm0, $0xb8;
	[tilespmem:$0x18080] =	vst v63  }
0xf8: {  	_ = 	snop  }
0xf9: {  	[hbm4b:s5+s3] =	stream.indirect_vreg.scatter [tilespmem:s26], [sflag:$0x1], $0x80, v3, vm0, $0xb8;
	[tilespmem:$0x18080] =	vst v63  }
0xfa: {  	v3 =	vld [tilespmem:$0x30];
	_ =	sdelay $0x4  }
0xfb: {  	v59 =	vshrl.u32 v3, $0x3  }
0xfc: {  	v4 =	vmul.u32 $0x30, v59  }
0xfd: {  	v3 =	vand.u32 $0x7, v3  }
0xfe: {  	v3 =	vor.u32 v3, v4  }
0xff: {  	v4 =	vperm.xlane v3, v0;
	_ =	sdelay $0x1  }
0x100: {  	v4 =	vadd.s32 v1, v4;
	_ =	sdelay $0x3  }
0x101: {  	v3 =	vperm.xlane v3, v2  }
0x102: {  	[hbm4b:s2+s3] =	stream.indirect_vreg.scatter [tilespmem:s28], [sflag:$0x1], $0x80, v4, vm0, $0xb8;
	[tilespmem:$0x18080] =	vst v63  }
0x103: {  	v3 =	vadd.s32 v1, v3  }
0x104: {  	[hbm4b:s4+s3] =	stream.indirect_vreg.scatter [tilespmem:s29], [sflag:$0x1], $0x80, v4, vm0, $0xb8;
	[tilespmem:$0x18080] =	vst v63  }
0x105: {  	_ = 	snop  }
0x106: {  	[hbm4b:s5+s3] =	stream.indirect_vreg.scatter [tilespmem:s30], [sflag:$0x1], $0x80, v4, vm0, $0xb8;
	[tilespmem:$0x18080] =	vst v63  }
0x107: {  	_ = 	snop  }
0x108: {  	[hbm4b:s2+s3] =	stream.indirect_vreg.scatter [tilespmem:s31], [sflag:$0x1], $0x80, v3, vm0, $0xb8;
	[tilespmem:$0x18080] =	vst v63  }
0x109: {  	s9 =	simm.s32 $0xB080  }
0x10a: {  	[hbm4b:s4+s3] =	stream.indirect_vreg.scatter [tilespmem:s9], [sflag:$0x1], $0x80, v3, vm0, $0xb8;
	[tilespmem:$0x18080] =	vst v63  }
0x10b: {  	_ = 	snop  }
0x10c: {  	[hbm4b:s5+s3] =	stream.indirect_vreg.scatter [tilespmem:s8], [sflag:$0x1], $0x80, v3, vm0, $0xb8;
	[tilespmem:$0x18080] =	vst v63  }
0x10d: {  	v3 =	vld [tilespmem:$0x40];
	_ =	sdelay $0x4  }
0x10e: {  	v60 =	vshrl.u32 v3, $0x3  }
0x10f: {  	v4 =	vmul.u32 $0x30, v60  }
0x110: {  	v3 =	vand.u32 $0x7, v3  }
0x111: {  	v3 =	vor.u32 v3, v4  }
0x112: {  	v4 =	vperm.xlane v3, v0;
	_ =	sdelay $0x1  }
0x113: {  	v4 =	vadd.s32 v1, v4;
	_ =	sdelay $0x3  }
0x114: {  	s8 =	simm.s32 $0xC080;
	v3 =	vperm.xlane v3, v2  }
0x115: {  	[hbm4b:s2+s3] =	stream.indirect_vreg.scatter [tilespmem:s8], [sflag:$0x1], $0x80, v4, vm0, $0xb8;
	[tilespmem:$0x18080] =	vst v63  }
0x116: {  	s9 =	simm.s32 $0xC880;
	v3 =	vadd.s32 v1, v3  }
0x117: {  	[hbm4b:s4+s3] =	stream.indirect_vreg.scatter [tilespmem:s9], [sflag:$0x1], $0x80, v4, vm0, $0xb8;
	[tilespmem:$0x18080] =	vst v63  }
0x118: {  	s8 =	simm.s32 $0xD080  }
0x119: {  	[hbm4b:s5+s3] =	stream.indirect_vreg.scatter [tilespmem:s8], [sflag:$0x1], $0x80, v4, vm0, $0xb8;
	[tilespmem:$0x18080] =	vst v63  }
0x11a: {  	s9 =	simm.s32 $0xD880  }
0x11b: {  	[hbm4b:s2+s3] =	stream.indirect_vreg.scatter [tilespmem:s9], [sflag:$0x1], $0x80, v3, vm0, $0xb8;
	[tilespmem:$0x18080] =	vst v63  }
0x11c: {  	s8 =	simm.s32 $0xE080  }
0x11d: {  	[hbm4b:s4+s3] =	stream.indirect_vreg.scatter [tilespmem:s8], [sflag:$0x1], $0x80, v3, vm0, $0xb8;
	[tilespmem:$0x18080] =	vst v63  }
0x11e: {  	s9 =	simm.s32 $0xE880  }
0x11f: {  	[hbm4b:s5+s3] =	stream.indirect_vreg.scatter [tilespmem:s9], [sflag:$0x1], $0x80, v3, vm0, $0xb8;
	[tilespmem:$0x18080] =	vst v63  }
0x120: {  	v3 =	vld [tilespmem:$0x50];
	_ =	sdelay $0x4  }
0x121: {  	v61 =	vshrl.u32 v3, $0x3  }
0x122: {  	v4 =	vmul.u32 $0x30, v61  }
0x123: {  	v3 =	vand.u32 $0x7, v3  }
0x124: {  	v3 =	vor.u32 v3, v4  }
0x125: {  	v4 =	vperm.xlane v3, v0;
	_ =	sdelay $0x1  }
0x126: {  	v4 =	vadd.s32 v1, v4;
	_ =	sdelay $0x3  }
0x127: {  	s8 =	simm.s32 $0xF080;
	v3 =	vperm.xlane v3, v2  }
0x128: {  	[hbm4b:s2+s3] =	stream.indirect_vreg.scatter [tilespmem:s8], [sflag:$0x1], $0x80, v4, vm0, $0xb8;
	[tilespmem:$0x18080] =	vst v63  }
0x129: {  	s9 =	simm.s32 $0xF880;
	v3 =	vadd.s32 v1, v3  }
0x12a: {  	[hbm4b:s4+s3] =	stream.indirect_vreg.scatter [tilespmem:s9], [sflag:$0x1], $0x80, v4, vm0, $0xb8;
	[tilespmem:$0x18080] =	vst v63  }
0x12b: {  	s8 =	simm.s32 $0x10080  }
0x12c: {  	[hbm4b:s5+s3] =	stream.indirect_vreg.scatter [tilespmem:s8], [sflag:$0x1], $0x80, v4, vm0, $0xb8;
	[tilespmem:$0x18080] =	vst v63  }
0x12d: {  	s9 =	simm.s32 $0x10880  }
0x12e: {  	[hbm4b:s2+s3] =	stream.indirect_vreg.scatter [tilespmem:s9], [sflag:$0x1], $0x80, v3, vm0, $0xb8;
	[tilespmem:$0x18080] =	vst v63  }
0x12f: {  	s8 =	simm.s32 $0x11080  }
0x130: {  	[hbm4b:s4+s3] =	stream.indirect_vreg.scatter [tilespmem:s8], [sflag:$0x1], $0x80, v3, vm0, $0xb8;
	[tilespmem:$0x18080] =	vst v63  }
0x131: {  	s9 =	simm.s32 $0x11880  }
0x132: {  	[hbm4b:s5+s3] =	stream.indirect_vreg.scatter [tilespmem:s9], [sflag:$0x1], $0x80, v3, vm0, $0xb8;
	[tilespmem:$0x18080] =	vst v63  }
0x133: {  	v3 =	vld [tilespmem:$0x60];
	_ =	sdelay $0x4  }
0x134: {  	v62 =	vshrl.u32 v3, $0x3  }
0x135: {  	v4 =	vmul.u32 $0x30, v62  }
0x136: {  	v3 =	vand.u32 $0x7, v3  }
0x137: {  	v3 =	vor.u32 v3, v4  }
0x138: {  	v4 =	vperm.xlane v3, v0;
	_ =	sdelay $0x1  }
0x139: {  	v4 =	vadd.s32 v1, v4;
	_ =	sdelay $0x3  }
0x13a: {  	s8 =	simm.s32 $0x12080;
	v3 =	vperm.xlane v3, v2  }
0x13b: {  	[hbm4b:s2+s3] =	stream.indirect_vreg.scatter [tilespmem:s8], [sflag:$0x1], $0x80, v4, vm0, $0xb8;
	[tilespmem:$0x18080] =	vst v63  }
0x13c: {  	s9 =	simm.s32 $0x12880;
	v3 =	vadd.s32 v1, v3  }
0x13d: {  	[hbm4b:s4+s3] =	stream.indirect_vreg.scatter [tilespmem:s9], [sflag:$0x1], $0x80, v4, vm0, $0xb8;
	[tilespmem:$0x18080] =	vst v63  }
0x13e: {  	s8 =	simm.s32 $0x13080  }
0x13f: {  	[hbm4b:s5+s3] =	stream.indirect_vreg.scatter [tilespmem:s8], [sflag:$0x1], $0x80, v4, vm0, $0xb8;
	[tilespmem:$0x18080] =	vst v63  }
0x140: {  	s9 =	simm.s32 $0x13880  }
0x141: {  	[hbm4b:s2+s3] =	stream.indirect_vreg.scatter [tilespmem:s9], [sflag:$0x1], $0x80, v3, vm0, $0xb8;
	[tilespmem:$0x18080] =	vst v63  }
0x142: {  	s8 =	simm.s32 $0x14080  }
0x143: {  	[hbm4b:s4+s3] =	stream.indirect_vreg.scatter [tilespmem:s8], [sflag:$0x1], $0x80, v3, vm0, $0xb8;
	[tilespmem:$0x18080] =	vst v63  }
0x144: {  	s9 =	simm.s32 $0x14880  }
0x145: {  	[hbm4b:s5+s3] =	stream.indirect_vreg.scatter [tilespmem:s9], [sflag:$0x1], $0x80, v3, vm0, $0xb8;
	[tilespmem:$0x18080] =	vst v63  }
0x146: {  	v3 =	vld [tilespmem:$0x70];
	_ =	sdelay $0x4  }
0x147: {  	v63 =	vshrl.u32 v3, $0x3  }
0x148: {  	v4 =	vmul.u32 $0x30, v63  }
0x149: {  	v3 =	vand.u32 $0x7, v3  }
0x14a: {  	v3 =	vor.u32 v3, v4  }
0x14b: {  	v4 =	vperm.xlane v3, v0;
	_ =	sdelay $0x1  }
0x14c: {  	v4 =	vadd.s32 v1, v4;
	_ =	sdelay $0x3  }
0x14d: {  	s8 =	simm.s32 $0x15080;
	v3 =	vperm.xlane v3, v2  }
0x14e: {  	[hbm4b:s2+s3] =	stream.indirect_vreg.scatter [tilespmem:s8], [sflag:$0x1], $0x80, v4, vm0, $0xb8;
	[tilespmem:$0x18080] =	vst v63  }
0x14f: {  	s9 =	simm.s32 $0x15880;
	v3 =	vadd.s32 v1, v3  }
0x150: {  	[hbm4b:s4+s3] =	stream.indirect_vreg.scatter [tilespmem:s9], [sflag:$0x1], $0x80, v4, vm0, $0xb8;
	[tilespmem:$0x18080] =	vst v63  }
0x151: {  	s8 =	simm.s32 $0x16080  }
0x152: {  	[hbm4b:s5+s3] =	stream.indirect_vreg.scatter [tilespmem:s8], [sflag:$0x1], $0x80, v4, vm0, $0xb8;
	[tilespmem:$0x18080] =	vst v63  }
0x153: {  	s9 =	simm.s32 $0x16880  }
0x154: {  	[hbm4b:s2+s3] =	stream.indirect_vreg.scatter [tilespmem:s9], [sflag:$0x1], $0x80, v3, vm0, $0xb8;
	[tilespmem:$0x18080] =	vst v63  }
0x155: {  	p0 =	sne.s32 s6, $0x1;
	s8 =	simm.s32 $0x17080  }
0x156: {  	[hbm4b:s4+s3] =	stream.indirect_vreg.scatter [tilespmem:s8], [sflag:$0x1], $0x80, v3, vm0, $0xb8;
	[tilespmem:$0x18080] =	vst v63  }
.Ltmp0:
0x157: {  	s9 =	simm.s32 $0x17880;
	(pc) =	sbr.rel @p0 .LBB2_1-.Ltmp0, $4  }
0x158: {  	[hbm4b:s5+s3] =	stream.indirect_vreg.scatter [tilespmem:s9], [sflag:$0x1], $0x80, v3, vm0, $0xb8;
	[tilespmem:$0x18080] =	vst v63  }
0x159: {  	_ =	swait.ge [sflag:s1], $0x18000  }
0x15a: {  	[sflag:s1] =	ssyncset.done $0x0  }
0x15b: {  	s6 =	sadd.s32 $0xFFFFFFFF, s6;
	[sflag:s1] =	ssyncadd.s32 $0xFFFE8000  }
0x15c: {  	_ =	sfence.sel $0x180000  }
0x15d: {  	[bflag:$0x0] =	sbarrier.arrive $0xFFFF  }
0x15e: {  	_ =	strace $0x90000047  }
0x15f: {  	s0 =	stileid.u32;
	[bflag:$0x2] =	sbarrier.arrive $0xFFFF  }
0x160: {  	p0 =	sne.s32 s0, $0x0;
	s0 =	rddreg [dreg:$0x3]  }
0x161: {  	s0 =	sadd.s32 @!p0 $0x100000, s0  }
0x162: {  	[sflag:s0] =	ssyncadd.tile.s32 @!p0 $0x1;
	_ =	shalt  }
.Lfunc_end2:
_tile_overlayer_lowered:
.L_overlay_start_2:
0x163: {  	(tag) =	ssettag $0x2  }
0x164: {  	s0 =	rddreg [dreg:$0x0];
	s2 =	stileid.u32  }
0x165: {  	s1 =	rddreg [dreg:$0x1];
	p0 =	sne.s32 s2, $0x0  }
0x166: {  	s3 =	rddreg [dreg:$0x2];
	[bflag:$0x3] =	sbarrier.arrive $0xFFFF;
	s2 =	simm.s32 @!p0 $0x1C02  }
0x167: {  	[timem:s3], [sflag:s2] =	dma.local @!p0 [hbm:s0], s1  }
0x168: {  	s0 =	simm.s32 @!p0 $0x2  }
0x169: {  	_ =	swait.ge @!p0 [sflag:s0], s1  }
0x16a: {  	s1 =	ssub.s32 @!p0 $0x0, s1;
	[sflag:s0] =	ssyncset.done @!p0 $0x0  }
0x16b: {  	[sflag:s0] =	ssyncadd.s32 @!p0 s1  }
0x16c: {  	[bflag:$0x3] =	sbarrier.arrive $0xFFFF  }
0x16d: {  	_ =	shalt  }

// kernel: kernel.9.cloned.1.call-start
scs
__scs_entry_jumppad:
0x0: {  	(pc) =	sbr.rel $0x88, $3  }
0x1: {  	(tag) =	ssettag $0x0;
	lr =	simm.s32 $0x1  }
0x2: {  	[smem:$0x3F9D] =	sst lr;
	_ =	strace $0xD0000000  }
0x3: {  	_ = 	snop  }
0x4: {  	_ = 	snop  }
0x5: {  	_ = 	snop  }
0x6: {  	_ = 	snop  }
0x7: {  	_ = 	snop  }
__scs_overlays_trampoline_lowered:
0x8: {  	[smem:$0x3FAC] =	sst s0  }
0x9: {  	[smem:$0x3FAD] =	sst s1  }
0xa: {  	[smem:$0x3FAE] =	sst s2  }
0xb: {  	[smem:$0x3FAF] =	sst s3  }
0xc: {  	[smem:$0x3FB0] =	sst s4  }
0xd: {  	[smem:$0x3FB1] =	sst s5  }
0xe: {  	[smem:$0x3FB2] =	sst s6  }
0xf: {  	[smem:$0x3FB3] =	sst s7  }
0x10: {  	[smem:$0x3FB4] =	sst s8  }
0x11: {  	[smem:$0x3FB5] =	sst s9;
	s0 =	simm.s32 @!p0 $0x0  }
0x12: {  	s1 =	sld [smem:$0x3F9B];
	s0 =	simm.s32 @p0 $0x1  }
0x13: {  	[smem:$0x3FB6] =	sst s0;
	s0 =	simm.s32 @!p1 $0x0  }
0x14: {  	s2 =	sld [smem:$0x3F9A];
	s0 =	simm.s32 @p1 $0x1  }
0x15: {  	[smem:$0x3FB7] =	sst s0;
	s0 =	simm.s32 @!p2 $0x0  }
0x16: {  	s3 =	sld [smem:$0x3FDB];
	s0 =	simm.s32 @p2 $0x1  }
0x17: {  	s4 =	simm.s32 $0x1BF5;
	[smem:$0x3FB9] =	sst s0  }
0x18: {  	s0 =	sld [smem:$0x3F9C];
	_ =	swait.ge [sflag:s4], $0x0  }
0x19: {  	s7 =	sld [smem:$0x3F9D]  }
0x1a: {  	s8 =	sadd.s32 $0xFFFFE003, lr  }
0x1b: {  	s9 =	sadd.s32 $0xFFFFFEF7, lr;
	s5 =	simm.s32 $0xFFFFFFFF;
	p2 =	slt.u32 s8, $0xFFFFF086  }
0x1c: {  	p1 =	slt.u32 s9, $0xF7A;
	s5 =	simm.s32 @!p2 $0x0  }
0x1d: {  	s5 =	simm.s32 @p1 $0x1;
	p0 =	seq.s32 s7, s2  }
0x1e: {  	s7 =	smul.u32 @!p0 $0xF7A, s2;
	p2 =	seq.s32 @!p0 s5, $0x0  }
0x1f: {  	s9 =	smul.u32 $0xF7A, s1;
	s8 =	simm.s32 @!p0 $0x1BF5;
	p2 =	por !p2, p0  }
0x20: {  	[sflag:s8] =	ssyncset.s32 @!p0 $0xFFFFF086;
	s6 =	sadd.s32 @!p0 s3, s7;
	s7 =	simm.s32 @!p0 $0x108  }
0x21: {  	s3 =	sadd.s32 s3, s9;
	s6 =	sadd.s32 @!p0 $0x88, s6;
	s7 =	simm.s32 @p2 $0x1082  }
0x22: {  	[simem:s7], [sflag:s8] =	dma.local @!p0 [hbm:s6], $0xF7A  }
0x23: {  	s9 =	sor.u32 $0xD0000000, s2;
	s6 =	simm.s32 $0x108;
	_ =	swait.ge @!p0 [sflag:s8], $0x0  }
0x24: {  	s3 =	sadd.s32 $0x88, s3;
	s6 =	simm.s32 @!p1 $0x1082;
	[sflag:s4] =	ssyncset.s32 $0xFFFFF086  }
0x25: {  	[simem:s6], [sflag:s4] =	dma.local [hbm:s3], $0xF7A  }
0x26: {  	[smem:$0x3F9D] =	sst s1;
	(tag) =	ssettag s2;
	_ =	strace s9  }
0x27: {  	s1 =	sld [smem:$0x3FAD]  }
0x28: {  	s2 =	sld [smem:$0x3FAE]  }
0x29: {  	s4 =	sld [smem:$0x3FB0]  }
0x2a: {  	p0 =	seq.s32 s5, $0x0;
	s5 =	sld [smem:$0x3FB1]  }
0x2b: {  	s6 =	sld [smem:$0x3FB2]  }
0x2c: {  	s7 =	sld [smem:$0x3FB3]  }
0x2d: {  	s3 =	simm.s32 $0x108;
	s8 =	sld [smem:$0x3FB4]  }
0x2e: {  	s3 =	simm.s32 @!p0 $0x1082;
	s9 =	sld [smem:$0x3FB5]  }
0x2f: {  	lr =	sadd.s32 s0, s3;
	s0 =	sld [smem:$0x3FAC]  }
0x30: {  	s3 =	sld [smem:$0x3FAF]  }
0x31: {  	[smem:$0x3FB8] =	sst s10  }
0x32: {  	s10 =	sld [smem:$0x3FB6];
	_ =	sdelay $0x3  }
0x33: {  	p0 =	seq.s32 s10, $0x1;
	s10 =	sld [smem:$0x3FB8];
	_ =	sdelay $0x3  }
0x34: {  	[smem:$0x3FB8] =	sst s10  }
0x35: {  	s10 =	sld [smem:$0x3FB7];
	_ =	sdelay $0x3  }
0x36: {  	p1 =	seq.s32 s10, $0x1;
	s10 =	sld [smem:$0x3FB8];
	_ =	sdelay $0x3  }
0x37: {  	[smem:$0x3FB8] =	sst s10  }
0x38: {  	s10 =	sld [smem:$0x3FB9]  }
0x39: {  	_ = 	snop;
	(pc) =	sbr.ind lr, $3  }
0x3a: {  	_ = 	snop  }
0x3b: {  	_ = 	snop  }
0x3c: {  	p2 =	seq.s32 s10, $0x1;
	s10 =	sld [smem:$0x3FB8]  }
0x3d: {  	_ =	shalt  }
0x3e: {  	_ =	shalt  }
0x3f: {  	_ =	shalt  }
0x40: {  	_ =	shalt  }
0x41: {  	_ =	shalt  }
0x42: {  	_ =	shalt  }
0x43: {  	_ =	shalt  }
0x44: {  	_ =	shalt  }
0x45: {  	_ =	shalt  }
0x46: {  	_ =	shalt  }
0x47: {  	_ =	shalt  }
0x48: {  	_ =	shalt  }
0x49: {  	_ =	shalt  }
0x4a: {  	_ =	shalt  }
0x4b: {  	_ =	shalt  }
0x4c: {  	_ =	shalt  }
0x4d: {  	_ =	shalt  }
0x4e: {  	_ =	shalt  }
0x4f: {  	_ =	shalt  }
0x50: {  	_ =	shalt  }
0x51: {  	_ =	shalt  }
0x52: {  	_ =	shalt  }
0x53: {  	_ =	shalt  }
0x54: {  	_ =	shalt  }
0x55: {  	_ =	shalt  }
0x56: {  	_ =	shalt  }
0x57: {  	_ =	shalt  }
0x58: {  	_ =	shalt  }
0x59: {  	_ =	shalt  }
0x5a: {  	_ =	shalt  }
0x5b: {  	_ =	shalt  }
0x5c: {  	_ =	shalt  }
0x5d: {  	_ =	shalt  }
0x5e: {  	_ =	shalt  }
0x5f: {  	_ =	shalt  }
0x60: {  	_ =	shalt  }
0x61: {  	_ =	shalt  }
0x62: {  	_ =	shalt  }
0x63: {  	_ =	shalt  }
0x64: {  	_ =	shalt  }
0x65: {  	_ =	shalt  }
0x66: {  	_ =	shalt  }
0x67: {  	_ =	shalt  }
0x68: {  	_ =	shalt  }
0x69: {  	_ =	shalt  }
0x6a: {  	_ =	shalt  }
0x6b: {  	_ =	shalt  }
0x6c: {  	_ =	shalt  }
0x6d: {  	_ =	shalt  }
0x6e: {  	_ =	shalt  }
0x6f: {  	_ =	shalt  }
0x70: {  	_ =	shalt  }
0x71: {  	_ =	shalt  }
0x72: {  	_ =	shalt  }
0x73: {  	_ =	shalt  }
0x74: {  	_ =	shalt  }
0x75: {  	_ =	shalt  }
0x76: {  	_ =	shalt  }
0x77: {  	_ =	shalt  }
0x78: {  	_ =	shalt  }
0x79: {  	_ =	shalt  }
0x7a: {  	_ =	shalt  }
0x7b: {  	_ =	shalt  }
0x7c: {  	_ =	shalt  }
0x7d: {  	_ =	shalt  }
0x7e: {  	_ =	shalt  }
0x7f: {  	_ =	shalt  }
0x80: {  	_ =	shalt  }
0x81: {  	_ =	shalt  }
0x82: {  	_ =	shalt  }
0x83: {  	_ =	shalt  }
0x84: {  	_ =	shalt  }
0x85: {  	_ =	shalt  }
0x86: {  	_ =	shalt  }
0x87: {  	_ =	shalt  }
.Lfunc_end0:
.L_simem_size_0:
called_computation.1_lowered:
.L_overlay_start_0:
0x88: {  	s2 =	sld [smem:$0x3FD9]  }
0x89: {  	s3 =	sld [smem:$0x3FFE];
	_ =	sdelay $0x1  }
0x8a: {  	s1 =	srdreg.scid  }
0x8b: {  	s0 =	sand.u32 $0x1, s1  }
0x8c: {  	s17 =	sshll.u32 s0, $0xA;
	s2 =	sadd.s32 s3, s2  }
0x8d: {  	s2 =	sadd.s32 s2, s17  }
0x8e: {  	[smem:$0x3FC4] =	sst s2  }
0x8f: {  	_ = 	snop  }
0x90: {  	s2 =	sld [smem:$0x3FD0];
	(tm) =	ssettm $0x1  }
0x91: {  	s18 =	sld [smem:$0x3FFB];
	_ =	sdelay $0x3  }
0x92: {  	_ =	strace s18  }
0x93: {  	s3 =	sld [smem:$0x3FFC];
	_ =	sdelay $0x3  }
0x94: {  	_ =	strace s3  }
0x95: {  	s3 =	sld [smem:$0x3FFD];
	_ =	sdelay $0x3  }
0x96: {  	_ =	strace s3  }
0x97: {  	_ =	strace $0x8FFFFFFF  }
0x98: {  	s19 =	sld [smem:$0x3FDB];
	_ =	sdelay $0x1  }
0x99: {  	s4 =	simm.s32 $_scs_section_size  }
0x9a: {  	s5 =	simm.s32 $_size__tile_overlayer_lowered;
	s6 =	simm.s32 $_tile_overlayer_lowered  }
0x9b: {  	s22 =	simm.s32 $0x1BFF;
	s21 =	sshll.u32 s6, $0x1;
	s3 =	sadd.s32 s4, s19  }
0x9c: {  	s7 =	simm.s32 $0x0;
	s20 =	sshll.u32 s5, $0x1;
	s5 =	sadd.s32 s21, s3  }
0x9d: {  	[timem:s7], [sflag:s22] =	dma.local [hbm:s5], s20  }
0x9e: {  	_ =	swait.ge [sflag:s22], s20  }
0x9f: {  	s4 =	ssub.s32 $0x0, s20;
	[sflag:s22] =	ssyncset.done $0x0  }
0xa0: {  	[sflag:s22] =	ssyncadd.s32 s4;
	_ =	sdelay $0x1  }
0xa1: {  	s23 =	simm.s32 $0x1B8B  }
0xa2: {  	_ =	swait.ge [sflag:s23], $0x1  }
0xa3: {  	[sflag:s23] =	ssyncset.done $0x0  }
0xa4: {  	s25 =	simm.s32 $0x1B8E;
	s24 =	sld [smem:$0x3FFE];
	[sflag:s23] =	ssyncadd.s32 $0xFFFFFFFF  }
0xa5: {  	s26 =	simm.s32 $execute0_lowered;
	[smem:$0x3FD2] =	sst s25  }
0xa6: {  	s5 =	sshll.u32 s26, $0x1;
	_ =	strace $0x80000049;
	[dreg:$0x1] =	wrdreg $0xFFFFFFFF  }
0xa7: {  	s28 =	simm.s32 $_size_execute0_lowered;
	s3 =	sadd.s32 s3, s5;
	[dreg:$0x0] =	wrdreg $0x0  }
0xa8: {  	s5 =	sshll.u32 s28, $0x1;
	[dreg:$0x2] =	wrdreg s3  }
0xa9: {  	[dreg:$0x3] =	wrdreg s5  }
0xaa: {  	[dreg:$0x4] =	wrdreg $0xC0  }
0xab: {  	_ =	task [dreg:s7], $0x5FFFF  }
0xac: {  	[dreg:$0x1] =	wrdreg $0xFFFFFFFF  }
0xad: {  	[dreg:$0x0] =	wrdreg $0x60  }
0xae: {  	[dreg:$0x2] =	wrdreg s24  }
0xaf: {  	[dreg:$0x3] =	wrdreg s2  }
0xb0: {  	[dreg:$0x4] =	wrdreg $0x9  }
0xb1: {  	_ =	task.clear_ibuf [dreg:s7], $0x5FFFF;
	_ =	strace $0x90000049  }
0xb2: {  	s29 =	simm.s32 $0x9;
	_ =	strace $0x8000004B  }
0xb3: {  	_ =	swait.ge [sflag:s29], $0x1  }
0xb4: {  	[sflag:s29] =	ssyncadd.s32 $0xFFFFFFFF  }
0xb5: {  	_ =	strace $0x9000004B  }
0xb6: {  	_ =	sfence  }
0xb7: {  	s30 =	sld [smem:$0x0];
	_ =	sdelay $0x2  }
0xb8: {  	s31 =	sshll.u32 s1, $0xD;
	s1 =	sshrl.u32 s1, $0x2  }
0xb9: {  	s3 =	sand.u32 $0x4000, s31;
	s1 =	sadd.s32 s1, s30  }
0xba: {  	s0 =	sor.u32 s3, s0;
	s1 =	sshll.u32 s1, $0x11  }
0xbb: {  	s0 =	sor.u32 s1, s0  }
0xbc: {  	s0 =	sadd.s32 $0x8F2B, s0  }
0xbd: {  	[sflag:s0] =	ssyncadd.remote.s32 $0x1  }
0xbe: {  	_ =	sfence.sel $0xFFFF  }
0xbf: {  	[dreg:$0x0] =	wrdreg $0xFFFFFFFF;
	(pc) =	sbr.abs _section_cstart, $3  }
0xc0: {  	[dreg:$0x1] =	wrdreg $0xFFFFFFFF  }
0xc1: {  	_ =	task.clear_ibuf [dreg:s7], $0x2FFFF;
	_ =	strace $0x9FFFFFFF  }
0xc2: {  	(tm) =	ssettm $0x7FFFFFFF  }
0xc3: {  	_ =	shalt  }
tec
execute0_lowered:
.L_overlay_start_1:
0x0: {  	(tag) =	ssettag $0x1  }
0x1: {  	s0 =	rddreg [dreg:$0x0]  }
0x2: {  	s1 =	rddreg [dreg:$0x1];
	s3 =	srdreg.scid  }
0x3: {  	s2 =	simm.s32 $0x0;
	s5 =	stileid.u32;
	s10 =	simm.s32 $0x880  }
0x4: {  	s11 =	simm.s32 $0x1080;
	s12 =	simm.s32 $0x1880;
	s13 =	simm.s32 $0x2080  }
0x5: {  	s14 =	simm.s32 $0x2880;
	s15 =	simm.s32 $0x3080;
	s16 =	simm.s32 $0x3880  }
0x6: {  	s17 =	simm.s32 $0x4080;
	s18 =	simm.s32 $0x4880;
	s19 =	simm.s32 $0x5080  }
0x7: {  	s20 =	simm.s32 $0x5880;
	s21 =	simm.s32 $0x6080;
	s22 =	simm.s32 $0x6880  }
0x8: {  	s28 =	simm.s32 $0x9080;
	s29 =	simm.s32 $0x9880;
	s30 =	simm.s32 $0xA080  }
0x9: {  	s31 =	simm.s32 $0xA880;
	s4 =	sand.u32 $0x1, s3;
	[smem:$0x7FF] =	sst s2  }
0xa: {  	s23 =	sshll.u32 s5, $0x6;
	s3 =	sadd.s32 $0x1000, s0;
	s6 =	sadd.s32 $0xC00, s0  }
0xb: {  	s24 =	sshll.u32 s4, $0x5;
	_ =	strace $0x8000004A;
	s4 =	ssub.s32 $0x2, s4  }
0xc: {  	s5 =	sor.u32 s24, s23;
	s9 =	sshrl.u32 s4, $0x1;
	s23 =	simm.s32 $0x7080  }
0xd: {  	s24 =	simm.s32 $0x7880;
	s7 =	smul.u32 $0x300, s5;
	s8 =	sadd.s32 s6, s5  }
0xe: {  	s5 =	sor.u32 $0x10, s5;
	s26 =	ssub.s32 s4, s9;
	s4 =	sadd.s32 $0x1100, s0  }
0xf: {  	[dreg:$0x3] =	wrdreg s8;
	s25 =	smul.u32 $0x300, s5;
	s5 =	sadd.s32 s6, s5  }
0x10: {  	s6 =	smax.u32 s26, $0x1;
	s26 =	simm.s32 $0x8880;
	s8 =	simm.s32 $0xB880  }
0x11: {  	v2 =	vlaneseq.u32;
	s7 =	sadd.s32 s1, s7;
	[dreg:$0x5] =	wrdreg s5;
	s5 =	sadd.s32 $0x1200, s0  }
0x12: {  	vm0 =	vmmov $0xffff;
	v1 =	vshrl.u32 v2, $0x3;
	[dreg:$0x4] =	wrdreg s7;
	s1 =	sadd.s32 s1, s25;
	s7 =	simm.s32 $0x2  }
0x13: {  	v0 =	vand.u32 $0x7, v2;
	v2 =	vor.u32 $0x8, v2;
	v1 =	vmul.u32 $0x8, v1;
	s25 =	simm.s32 $0x8080;
	[dreg:$0x6] =	wrdreg s1;
	s1 =	simm.s32 $0x1  }
.LBB2_1:
0x14: {  	s9 =	rddreg [dreg:$0x3]  }
0x15: {  	[tilespmem:s2], [sflag:$0x2] =	stream.linear.gather [hbm4b:s9+s2], $0x80, $0x38;
	[tilespmem:$0x18080] =	vst v63  }
0x16: {  	_ =	swait.ge [sflag:s7], $0x80  }
0x17: {  	[sflag:s7] =	ssyncset.done $0x0  }
0x18: {  	[sflag:s7] =	ssyncadd.s32 $0xFFFFFF80  }
0x19: {  	v3 =	vld [tilespmem:$0x0];
	_ =	sdelay $0x4  }
0x1a: {  	v4 =	vshrl.u32 v3, $0x3  }
0x1b: {  	v4 =	vmul.u32 $0x30, v4  }
0x1c: {  	v3 =	vand.u32 $0x7, v3  }
0x1d: {  	v3 =	vor.u32 v3, v4  }
0x1e: {  	v4 =	vperm.xlane v3, v0;
	_ =	sdelay $0x1  }
0x1f: {  	v4 =	vadd.s32 v1, v4;
	_ =	sdelay $0x3  }
0x20: {  	s0 =	simm.s32 $0x80;
	v3 =	vperm.xlane v3, v2  }
0x21: {  	[tilespmem:s0], [sflag:$0x1] =	stream.indirect_vreg.gather [hbm4b:s3+s2], $0x80, v4, vm0, $0xb8;
	[tilespmem:$0x18080] =	vst v63  }
0x22: {  	v3 =	vadd.s32 v1, v3  }
0x23: {  	[tilespmem:s10], [sflag:$0x1] =	stream.indirect_vreg.gather [hbm4b:s4+s2], $0x80, v4, vm0, $0xb8;
	[tilespmem:$0x18080] =	vst v63  }
0x24: {  	_ = 	snop  }
0x25: {  	[tilespmem:s11], [sflag:$0x1] =	stream.indirect_vreg.gather [hbm4b:s5+s2], $0x80, v4, vm0, $0xb8;
	[tilespmem:$0x18080] =	vst v63  }
0x26: {  	_ = 	snop  }
0x27: {  	[tilespmem:s12], [sflag:$0x1] =	stream.indirect_vreg.gather [hbm4b:s3+s2], $0x80, v3, vm0, $0xb8;
	[tilespmem:$0x18080] =	vst v63  }
0x28: {  	_ = 	snop  }
0x29: {  	[tilespmem:s13], [sflag:$0x1] =	stream.indirect_vreg.gather [hbm4b:s4+s2], $0x80, v3, vm0, $0xb8;
	[tilespmem:$0x18080] =	vst v63  }
0x2a: {  	_ = 	snop  }
0x2b: {  	[tilespmem:s14], [sflag:$0x1] =	stream.indirect_vreg.gather [hbm4b:s5+s2], $0x80, v3, vm0, $0xb8;
	[tilespmem:$0x18080] =	vst v63  }
0x2c: {  	v3 =	vld [tilespmem:$0x10];
	_ =	sdelay $0x4  }
0x2d: {  	v49 =	vshrl.u32 v3, $0x3  }
0x2e: {  	v4 =	vmul.u32 $0x30, v49  }
0x2f: {  	v3 =	vand.u32 $0x7, v3  }
0x30: {  	v3 =	vor.u32 v3, v4  }
0x31: {  	v4 =	vperm.xlane v3, v0;
	_ =	sdelay $0x1  }
0x32: {  	v4 =	vadd.s32 v1, v4;
	_ =	sdelay $0x3  }
0x33: {  	v3 =	vperm.xlane v3, v2  }
0x34: {  	[tilespmem:s15], [sflag:$0x1] =	stream.indirect_vreg.gather [hbm4b:s3+s2], $0x80, v4, vm0, $0xb8;
	[tilespmem:$0x18080] =	vst v63  }
0x35: {  	v3 =	vadd.s32 v1, v3  }
0x36: {  	[tilespmem:s16], [sflag:$0x1] =	stream.indirect_vreg.gather [hbm4b:s4+s2], $0x80, v4, vm0, $0xb8;
	[tilespmem:$0x18080] =	vst v63  }
0x37: {  	_ = 	snop  }
0x38: {  	[tilespmem:s17], [sflag:$0x1] =	stream.indirect_vreg.gather [hbm4b:s5+s2], $0x80, v4, vm0, $0xb8;
	[tilespmem:$0x18080] =	vst v63  }
0x39: {  	_ = 	snop  }
0x3a: {  	[tilespmem:s18], [sflag:$0x1] =	stream.indirect_vreg.gather [hbm4b:s3+s2], $0x80, v3, vm0, $0xb8;
	[tilespmem:$0x18080] =	vst v63  }
0x3b: {  	_ = 	snop  }
0x3c: {  	[tilespmem:s19], [sflag:$0x1] =	stream.indirect_vreg.gather [hbm4b:s4+s2], $0x80, v3, vm0, $0xb8;
	[tilespmem:$0x18080] =	vst v63  }
0x3d: {  	_ = 	snop  }
0x3e: {  	[tilespmem:s20], [sflag:$0x1] =	stream.indirect_vreg.gather [hbm4b:s5+s2], $0x80, v3, vm0, $0xb8;
	[tilespmem:$0x18080] =	vst v63  }
0x3f: {  	v3 =	vld [tilespmem:$0x20];
	_ =	sdelay $0x4  }
0x40: {  	v50 =	vshrl.u32 v3, $0x3  }
0x41: {  	v4 =	vmul.u32 $0x30, v50  }
0x42: {  	v3 =	vand.u32 $0x7, v3  }
0x43: {  	v3 =	vor.u32 v3, v4  }
0x44: {  	v4 =	vperm.xlane v3, v0;
	_ =	sdelay $0x1  }
0x45: {  	v4 =	vadd.s32 v1, v4;
	_ =	sdelay $0x3  }
0x46: {  	v3 =	vperm.xlane v3, v2  }
0x47: {  	[tilespmem:s21], [sflag:$0x1] =	stream.indirect_vreg.gather [hbm4b:s3+s2], $0x80, v4, vm0, $0xb8;
	[tilespmem:$0x18080] =	vst v63  }
0x48: {  	v3 =	vadd.s32 v1, v3  }
0x49: {  	[tilespmem:s22], [sflag:$0x1] =	stream.indirect_vreg.gather [hbm4b:s4+s2], $0x80, v4, vm0, $0xb8;
	[tilespmem:$0x18080] =	vst v63  }
0x4a: {  	_ = 	snop  }
0x4b: {  	[tilespmem:s23], [sflag:$0x1] =	stream.indirect_vreg.gather [hbm4b:s5+s2], $0x80, v4, vm0, $0xb8;
	[tilespmem:$0x18080] =	vst v63  }
0x4c: {  	_ = 	snop  }
0x4d: {  	[tilespmem:s24], [sflag:$0x1] =	stream.indirect_vreg.gather [hbm4b:s3+s2], $0x80, v3, vm0, $0xb8;
	[tilespmem:$0x18080] =	vst v63  }
0x4e: {  	_ = 	snop  }
0x4f: {  	[tilespmem:s25], [sflag:$0x1] =	stream.indirect_vreg.gather [hbm4b:s4+s2], $0x80, v3, vm0, $0xb8;
	[tilespmem:$0x18080] =	vst v63  }
0x50: {  	_ = 	snop  }
0x51: {  	[tilespmem:s26], [sflag:$0x1] =	stream.indirect_vreg.gather [hbm4b:s5+s2], $0x80, v3, vm0, $0xb8;
	[tilespmem:$0x18080] =	vst v63  }
0x52: {  	v3 =	vld [tilespmem:$0x30];
	_ =	sdelay $0x4  }
0x53: {  	v51 =	vshrl.u32 v3, $0x3  }
0x54: {  	v4 =	vmul.u32 $0x30, v51  }
0x55: {  	v3 =	vand.u32 $0x7, v3  }
0x56: {  	v3 =	vor.u32 v3, v4  }
0x57: {  	v4 =	vperm.xlane v3, v0;
	_ =	sdelay $0x1  }
0x58: {  	v4 =	vadd.s32 v1, v4;
	_ =	sdelay $0x3  }
0x59: {  	v3 =	vperm.xlane v3, v2  }
0x5a: {  	[tilespmem:s28], [sflag:$0x1] =	stream.indirect_vreg.gather [hbm4b:s3+s2], $0x80, v4, vm0, $0xb8;
	[tilespmem:$0x18080] =	vst v63  }
0x5b: {  	v3 =	vadd.s32 v1, v3  }
0x5c: {  	[tilespmem:s29], [sflag:$0x1] =	stream.indirect_vreg.gather [hbm4b:s4+s2], $0x80, v4, vm0, $0xb8;
	[tilespmem:$0x18080] =	vst v63  }
0x5d: {  	_ = 	snop  }
0x5e: {  	[tilespmem:s30], [sflag:$0x1] =	stream.indirect_vreg.gather [hbm4b:s5+s2], $0x80, v4, vm0, $0xb8;
	[tilespmem:$0x18080] =	vst v63  }
0x5f: {  	_ = 	snop  }
0x60: {  	[tilespmem:s31], [sflag:$0x1] =	stream.indirect_vreg.gather [hbm4b:s3+s2], $0x80, v3, vm0, $0xb8;
	[tilespmem:$0x18080] =	vst v63  }
0x61: {  	s9 =	simm.s32 $0xB080  }
0x62: {  	[tilespmem:s9], [sflag:$0x1] =	stream.indirect_vreg.gather [hbm4b:s4+s2], $0x80, v3, vm0, $0xb8;
	[tilespmem:$0x18080] =	vst v63  }
0x63: {  	_ = 	snop  }
0x64: {  	[tilespmem:s8], [sflag:$0x1] =	stream.indirect_vreg.gather [hbm4b:s5+s2], $0x80, v3, vm0, $0xb8;
	[tilespmem:$0x18080] =	vst v63  }
0x65: {  	v3 =	vld [tilespmem:$0x40];
	_ =	sdelay $0x4  }
0x66: {  	v52 =	vshrl.u32 v3, $0x3  }
0x67: {  	v4 =	vmul.u32 $0x30, v52  }
0x68: {  	v3 =	vand.u32 $0x7, v3  }
0x69: {  	v3 =	vor.u32 v3, v4  }
0x6a: {  	v4 =	vperm.xlane v3, v0;
	_ =	sdelay $0x1  }
0x6b: {  	v4 =	vadd.s32 v1, v4;
	_ =	sdelay $0x3  }
0x6c: {  	s9 =	simm.s32 $0xC080;
	v3 =	vperm.xlane v3, v2  }
0x6d: {  	[tilespmem:s9], [sflag:$0x1] =	stream.indirect_vreg.gather [hbm4b:s3+s2], $0x80, v4, vm0, $0xb8;
	[tilespmem:$0x18080] =	vst v63  }
0x6e: {  	v3 =	vadd.s32 v1, v3;
	s9 =	simm.s32 $0xC880  }
0x6f: {  	[tilespmem:s9], [sflag:$0x1] =	stream.indirect_vreg.gather [hbm4b:s4+s2], $0x80, v4, vm0, $0xb8;
	[tilespmem:$0x18080] =	vst v63  }
0x70: {  	s9 =	simm.s32 $0xD080  }
0x71: {  	[tilespmem:s9], [sflag:$0x1] =	stream.indirect_vreg.gather [hbm4b:s5+s2], $0x80, v4, vm0, $0xb8;
	[tilespmem:$0x18080] =	vst v63  }
0x72: {  	s9 =	simm.s32 $0xD880  }
0x73: {  	[tilespmem:s9], [sflag:$0x1] =	stream.indirect_vreg.gather [hbm4b:s3+s2], $0x80, v3, vm0, $0xb8;
	[tilespmem:$0x18080] =	vst v63  }
0x74: {  	s9 =	simm.s32 $0xE080  }
0x75: {  	[tilespmem:s9], [sflag:$0x1] =	stream.indirect_vreg.gather [hbm4b:s4+s2], $0x80, v3, vm0, $0xb8;
	[tilespmem:$0x18080] =	vst v63  }
0x76: {  	s9 =	simm.s32 $0xE880  }
0x77: {  	[tilespmem:s9], [sflag:$0x1] =	stream.indirect_vreg.gather [hbm4b:s5+s2], $0x80, v3, vm0, $0xb8;
	[tilespmem:$0x18080] =	vst v63  }
0x78: {  	v3 =	vld [tilespmem:$0x50];
	_ =	sdelay $0x4  }
0x79: {  	v53 =	vshrl.u32 v3, $0x3  }
0x7a: {  	v4 =	vmul.u32 $0x30, v53  }
0x7b: {  	v3 =	vand.u32 $0x7, v3  }
0x7c: {  	v3 =	vor.u32 v3, v4  }
0x7d: {  	v4 =	vperm.xlane v3, v0;
	_ =	sdelay $0x1  }
0x7e: {  	v4 =	vadd.s32 v1, v4;
	_ =	sdelay $0x3  }
0x7f: {  	s9 =	simm.s32 $0xF080;
	v3 =	vperm.xlane v3, v2  }
0x80: {  	[tilespmem:s9], [sflag:$0x1] =	stream.indirect_vreg.gather [hbm4b:s3+s2], $0x80, v4, vm0, $0xb8;
	[tilespmem:$0x18080] =	vst v63  }
0x81: {  	v3 =	vadd.s32 v1, v3;
	s9 =	simm.s32 $0xF880  }
0x82: {  	[tilespmem:s9], [sflag:$0x1] =	stream.indirect_vreg.gather [hbm4b:s4+s2], $0x80, v4, vm0, $0xb8;
	[tilespmem:$0x18080] =	vst v63  }
0x83: {  	s9 =	simm.s32 $0x10080  }
0x84: {  	[tilespmem:s9], [sflag:$0x1] =	stream.indirect_vreg.gather [hbm4b:s5+s2], $0x80, v4, vm0, $0xb8;
	[tilespmem:$0x18080] =	vst v63  }
0x85: {  	s9 =	simm.s32 $0x10880  }
0x86: {  	[tilespmem:s9], [sflag:$0x1] =	stream.indirect_vreg.gather [hbm4b:s3+s2], $0x80, v3, vm0, $0xb8;
	[tilespmem:$0x18080] =	vst v63  }
0x87: {  	s9 =	simm.s32 $0x11080  }
0x88: {  	[tilespmem:s9], [sflag:$0x1] =	stream.indirect_vreg.gather [hbm4b:s4+s2], $0x80, v3, vm0, $0xb8;
	[tilespmem:$0x18080] =	vst v63  }
0x89: {  	s9 =	simm.s32 $0x11880  }
0x8a: {  	[tilespmem:s9], [sflag:$0x1] =	stream.indirect_vreg.gather [hbm4b:s5+s2], $0x80, v3, vm0, $0xb8;
	[tilespmem:$0x18080] =	vst v63  }
0x8b: {  	v3 =	vld [tilespmem:$0x60];
	_ =	sdelay $0x4  }
0x8c: {  	v54 =	vshrl.u32 v3, $0x3  }
0x8d: {  	v4 =	vmul.u32 $0x30, v54  }
0x8e: {  	v3 =	vand.u32 $0x7, v3  }
0x8f: {  	v3 =	vor.u32 v3, v4  }
0x90: {  	v4 =	vperm.xlane v3, v0;
	_ =	sdelay $0x1  }
0x91: {  	v4 =	vadd.s32 v1, v4;
	_ =	sdelay $0x3  }
0x92: {  	s9 =	simm.s32 $0x12080;
	v3 =	vperm.xlane v3, v2  }
0x93: {  	[tilespmem:s9], [sflag:$0x1] =	stream.indirect_vreg.gather [hbm4b:s3+s2], $0x80, v4, vm0, $0xb8;
	[tilespmem:$0x18080] =	vst v63  }
0x94: {  	v3 =	vadd.s32 v1, v3;
	s9 =	simm.s32 $0x12880  }
0x95: {  	[tilespmem:s9], [sflag:$0x1] =	stream.indirect_vreg.gather [hbm4b:s4+s2], $0x80, v4, vm0, $0xb8;
	[tilespmem:$0x18080] =	vst v63  }
0x96: {  	s9 =	simm.s32 $0x13080  }
0x97: {  	[tilespmem:s9], [sflag:$0x1] =	stream.indirect_vreg.gather [hbm4b:s5+s2], $0x80, v4, vm0, $0xb8;
	[tilespmem:$0x18080] =	vst v63  }
0x98: {  	s9 =	simm.s32 $0x13880  }
0x99: {  	[tilespmem:s9], [sflag:$0x1] =	stream.indirect_vreg.gather [hbm4b:s3+s2], $0x80, v3, vm0, $0xb8;
	[tilespmem:$0x18080] =	vst v63  }
0x9a: {  	s9 =	simm.s32 $0x14080  }
0x9b: {  	[tilespmem:s9], [sflag:$0x1] =	stream.indirect_vreg.gather [hbm4b:s4+s2], $0x80, v3, vm0, $0xb8;
	[tilespmem:$0x18080] =	vst v63  }
0x9c: {  	s9 =	simm.s32 $0x14880  }
0x9d: {  	[tilespmem:s9], [sflag:$0x1] =	stream.indirect_vreg.gather [hbm4b:s5+s2], $0x80, v3, vm0, $0xb8;
	[tilespmem:$0x18080] =	vst v63  }
0x9e: {  	v3 =	vld [tilespmem:$0x70];
	_ =	sdelay $0x4  }
0x9f: {  	v55 =	vshrl.u32 v3, $0x3  }
0xa0: {  	v4 =	vmul.u32 $0x30, v55  }
0xa1: {  	v3 =	vand.u32 $0x7, v3  }
0xa2: {  	v3 =	vor.u32 v3, v4  }
0xa3: {  	v4 =	vperm.xlane v3, v0;
	_ =	sdelay $0x1  }
0xa4: {  	v4 =	vadd.s32 v1, v4;
	_ =	sdelay $0x3  }
0xa5: {  	s9 =	simm.s32 $0x15080;
	v3 =	vperm.xlane v3, v2  }
0xa6: {  	[tilespmem:s9], [sflag:$0x1] =	stream.indirect_vreg.gather [hbm4b:s3+s2], $0x80, v4, vm0, $0xb8;
	[tilespmem:$0x18080] =	vst v63  }
0xa7: {  	v3 =	vadd.s32 v1, v3;
	s9 =	simm.s32 $0x15880  }
0xa8: {  	[tilespmem:s9], [sflag:$0x1] =	stream.indirect_vreg.gather [hbm4b:s4+s2], $0x80, v4, vm0, $0xb8;
	[tilespmem:$0x18080] =	vst v63  }
0xa9: {  	s9 =	simm.s32 $0x16080  }
0xaa: {  	[tilespmem:s9], [sflag:$0x1] =	stream.indirect_vreg.gather [hbm4b:s5+s2], $0x80, v4, vm0, $0xb8;
	[tilespmem:$0x18080] =	vst v63  }
0xab: {  	s9 =	simm.s32 $0x16880  }
0xac: {  	[tilespmem:s9], [sflag:$0x1] =	stream.indirect_vreg.gather [hbm4b:s3+s2], $0x80, v3, vm0, $0xb8;
	[tilespmem:$0x18080] =	vst v63  }
0xad: {  	s9 =	simm.s32 $0x17080  }
0xae: {  	[tilespmem:s9], [sflag:$0x1] =	stream.indirect_vreg.gather [hbm4b:s4+s2], $0x80, v3, vm0, $0xb8;
	[tilespmem:$0x18080] =	vst v63  }
0xaf: {  	s9 =	simm.s32 $0x17880  }
0xb0: {  	[tilespmem:s9], [sflag:$0x1] =	stream.indirect_vreg.gather [hbm4b:s5+s2], $0x80, v3, vm0, $0xb8;
	[tilespmem:$0x18080] =	vst v63  }
0xb1: {  	_ =	swait.ge [sflag:s1], $0x18000  }
0xb2: {  	[sflag:s1] =	ssyncset.done $0x0  }
0xb3: {  	s0 =	simm.s32 $0x80;
	s9 =	rddreg [dreg:$0x4];
	[sflag:s1] =	ssyncadd.s32 $0xFFFE8000  }
0xb4: {  	[hbm4b:s9+s2] =	stream.linear.scatter [tilespmem:s0], [sflag:$0x2], $0x18000, $0x38;
	[tilespmem:$0x18080] =	vst v63  }
0xb5: {  	_ =	swait.ge [sflag:s7], $0x18000  }
0xb6: {  	[sflag:s7] =	ssyncset.done $0x0  }
0xb7: {  	s9 =	rddreg [dreg:$0x5];
	[sflag:s7] =	ssyncadd.s32 $0xFFFE8000  }
0xb8: {  	[tilespmem:s2], [sflag:$0x2] =	stream.linear.gather [hbm4b:s9+s2], $0x80, $0x38;
	[tilespmem:$0x18080] =	vst v63  }
0xb9: {  	_ =	swait.ge [sflag:s7], $0x80  }
0xba: {  	[sflag:s7] =	ssyncset.done $0x0  }
0xbb: {  	[sflag:s7] =	ssyncadd.s32 $0xFFFFFF80  }
0xbc: {  	v3 =	vld [tilespmem:$0x0];
	_ =	sdelay $0x4  }
0xbd: {  	v56 =	vshrl.u32 v3, $0x3  }
0xbe: {  	v4 =	vmul.u32 $0x30, v56  }
0xbf: {  	v3 =	vand.u32 $0x7, v3  }
0xc0: {  	v3 =	vor.u32 v3, v4  }
0xc1: {  	v4 =	vperm.xlane v3, v0;
	_ =	sdelay $0x1  }
0xc2: {  	v4 =	vadd.s32 v1, v4;
	_ =	sdelay $0x3  }
0xc3: {  	v3 =	vperm.xlane v3, v2  }
0xc4: {  	[tilespmem:s0], [sflag:$0x1] =	stream.indirect_vreg.gather [hbm4b:s3+s2], $0x80, v4, vm0, $0xb8;
	[tilespmem:$0x18080] =	vst v63  }
0xc5: {  	v3 =	vadd.s32 v1, v3  }
0xc6: {  	[tilespmem:s10], [sflag:$0x1] =	stream.indirect_vreg.gather [hbm4b:s4+s2], $0x80, v4, vm0, $0xb8;
	[tilespmem:$0x18080] =	vst v63  }
0xc7: {  	_ = 	snop  }
0xc8: {  	[tilespmem:s11], [sflag:$0x1] =	stream.indirect_vreg.gather [hbm4b:s5+s2], $0x80, v4, vm0, $0xb8;
	[tilespmem:$0x18080] =	vst v63  }
0xc9: {  	_ = 	snop  }
0xca: {  	[tilespmem:s12], [sflag:$0x1] =	stream.indirect_vreg.gather [hbm4b:s3+s2], $0x80, v3, vm0, $0xb8;
	[tilespmem:$0x18080] =	vst v63  }
0xcb: {  	_ = 	snop  }
0xcc: {  	[tilespmem:s13], [sflag:$0x1] =	stream.indirect_vreg.gather [hbm4b:s4+s2], $0x80, v3, vm0, $0xb8;
	[tilespmem:$0x18080] =	vst v63  }
0xcd: {  	_ = 	snop  }
0xce: {  	[tilespmem:s14], [sflag:$0x1] =	stream.indirect_vreg.gather [hbm4b:s5+s2], $0x80, v3, vm0, $0xb8;
	[tilespmem:$0x18080] =	vst v63  }
0xcf: {  	v3 =	vld [tilespmem:$0x10];
	_ =	sdelay $0x4  }
0xd0: {  	v57 =	vshrl.u32 v3, $0x3  }
0xd1: {  	v4 =	vmul.u32 $0x30, v57  }
0xd2: {  	v3 =	vand.u32 $0x7, v3  }
0xd3: {  	v3 =	vor.u32 v3, v4  }
0xd4: {  	v4 =	vperm.xlane v3, v0;
	_ =	sdelay $0x1  }
0xd5: {  	v4 =	vadd.s32 v1, v4;
	_ =	sdelay $0x3  }
0xd6: {  	v3 =	vperm.xlane v3, v2  }
0xd7: {  	[tilespmem:s15], [sflag:$0x1] =	stream.indirect_vreg.gather [hbm4b:s3+s2], $0x80, v4, vm0, $0xb8;
	[tilespmem:$0x18080] =	vst v63  }
0xd8: {  	v3 =	vadd.s32 v1, v3  }
0xd9: {  	[tilespmem:s16], [sflag:$0x1] =	stream.indirect_vreg.gather [hbm4b:s4+s2], $0x80, v4, vm0, $0xb8;
	[tilespmem:$0x18080] =	vst v63  }
0xda: {  	_ = 	snop  }
0xdb: {  	[tilespmem:s17], [sflag:$0x1] =	stream.indirect_vreg.gather [hbm4b:s5+s2], $0x80, v4, vm0, $0xb8;
	[tilespmem:$0x18080] =	vst v63  }
0xdc: {  	_ = 	snop  }
0xdd: {  	[tilespmem:s18], [sflag:$0x1] =	stream.indirect_vreg.gather [hbm4b:s3+s2], $0x80, v3, vm0, $0xb8;
	[tilespmem:$0x18080] =	vst v63  }
0xde: {  	_ = 	snop  }
0xdf: {  	[tilespmem:s19], [sflag:$0x1] =	stream.indirect_vreg.gather [hbm4b:s4+s2], $0x80, v3, vm0, $0xb8;
	[tilespmem:$0x18080] =	vst v63  }
0xe0: {  	_ = 	snop  }
0xe1: {  	[tilespmem:s20], [sflag:$0x1] =	stream.indirect_vreg.gather [hbm4b:s5+s2], $0x80, v3, vm0, $0xb8;
	[tilespmem:$0x18080] =	vst v63  }
0xe2: {  	v3 =	vld [tilespmem:$0x20];
	_ =	sdelay $0x4  }
0xe3: {  	v58 =	vshrl.u32 v3, $0x3  }
0xe4: {  	v4 =	vmul.u32 $0x30, v58  }
0xe5: {  	v3 =	vand.u32 $0x7, v3  }
0xe6: {  	v3 =	vor.u32 v3, v4  }
0xe7: {  	v4 =	vperm.xlane v3, v0;
	_ =	sdelay $0x1  }
0xe8: {  	v4 =	vadd.s32 v1, v4;
	_ =	sdelay $0x3  }
0xe9: {  	v3 =	vperm.xlane v3, v2  }
0xea: {  	[tilespmem:s21], [sflag:$0x1] =	stream.indirect_vreg.gather [hbm4b:s3+s2], $0x80, v4, vm0, $0xb8;
	[tilespmem:$0x18080] =	vst v63  }
0xeb: {  	v3 =	vadd.s32 v1, v3  }
0xec: {  	[tilespmem:s22], [sflag:$0x1] =	stream.indirect_vreg.gather [hbm4b:s4+s2], $0x80, v4, vm0, $0xb8;
	[tilespmem:$0x18080] =	vst v63  }
0xed: {  	_ = 	snop  }
0xee: {  	[tilespmem:s23], [sflag:$0x1] =	stream.indirect_vreg.gather [hbm4b:s5+s2], $0x80, v4, vm0, $0xb8;
	[tilespmem:$0x18080] =	vst v63  }
0xef: {  	_ = 	snop  }
0xf0: {  	[tilespmem:s24], [sflag:$0x1] =	stream.indirect_vreg.gather [hbm4b:s3+s2], $0x80, v3, vm0, $0xb8;
	[tilespmem:$0x18080] =	vst v63  }
0xf1: {  	_ = 	snop  }
0xf2: {  	[tilespmem:s25], [sflag:$0x1] =	stream.indirect_vreg.gather [hbm4b:s4+s2], $0x80, v3, vm0, $0xb8;
	[tilespmem:$0x18080] =	vst v63  }
0xf3: {  	_ = 	snop  }
0xf4: {  	[tilespmem:s26], [sflag:$0x1] =	stream.indirect_vreg.gather [hbm4b:s5+s2], $0x80, v3, vm0, $0xb8;
	[tilespmem:$0x18080] =	vst v63  }
0xf5: {  	v3 =	vld [tilespmem:$0x30];
	_ =	sdelay $0x4  }
0xf6: {  	v59 =	vshrl.u32 v3, $0x3  }
0xf7: {  	v4 =	vmul.u32 $0x30, v59  }
0xf8: {  	v3 =	vand.u32 $0x7, v3  }
0xf9: {  	v3 =	vor.u32 v3, v4  }
0xfa: {  	v4 =	vperm.xlane v3, v0;
	_ =	sdelay $0x1  }
0xfb: {  	v4 =	vadd.s32 v1, v4;
	_ =	sdelay $0x3  }
0xfc: {  	v3 =	vperm.xlane v3, v2  }
0xfd: {  	[tilespmem:s28], [sflag:$0x1] =	stream.indirect_vreg.gather [hbm4b:s3+s2], $0x80, v4, vm0, $0xb8;
	[tilespmem:$0x18080] =	vst v63  }
0xfe: {  	v3 =	vadd.s32 v1, v3  }
0xff: {  	[tilespmem:s29], [sflag:$0x1] =	stream.indirect_vreg.gather [hbm4b:s4+s2], $0x80, v4, vm0, $0xb8;
	[tilespmem:$0x18080] =	vst v63  }
0x100: {  	_ = 	snop  }
0x101: {  	[tilespmem:s30], [sflag:$0x1] =	stream.indirect_vreg.gather [hbm4b:s5+s2], $0x80, v4, vm0, $0xb8;
	[tilespmem:$0x18080] =	vst v63  }
0x102: {  	_ = 	snop  }
0x103: {  	[tilespmem:s31], [sflag:$0x1] =	stream.indirect_vreg.gather [hbm4b:s3+s2], $0x80, v3, vm0, $0xb8;
	[tilespmem:$0x18080] =	vst v63  }
0x104: {  	s9 =	simm.s32 $0xB080  }
0x105: {  	[tilespmem:s9], [sflag:$0x1] =	stream.indirect_vreg.gather [hbm4b:s4+s2], $0x80, v3, vm0, $0xb8;
	[tilespmem:$0x18080] =	vst v63  }
0x106: {  	_ = 	snop  }
0x107: {  	[tilespmem:s8], [sflag:$0x1] =	stream.indirect_vreg.gather [hbm4b:s5+s2], $0x80, v3, vm0, $0xb8;
	[tilespmem:$0x18080] =	vst v63  }
0x108: {  	v3 =	vld [tilespmem:$0x40];
	_ =	sdelay $0x4  }
0x109: {  	v60 =	vshrl.u32 v3, $0x3  }
0x10a: {  	v4 =	vmul.u32 $0x30, v60  }
0x10b: {  	v3 =	vand.u32 $0x7, v3  }
0x10c: {  	v3 =	vor.u32 v3, v4  }
0x10d: {  	v4 =	vperm.xlane v3, v0;
	_ =	sdelay $0x1  }
0x10e: {  	v4 =	vadd.s32 v1, v4;
	_ =	sdelay $0x3  }
0x10f: {  	s9 =	simm.s32 $0xC080;
	v3 =	vperm.xlane v3, v2  }
0x110: {  	[tilespmem:s9], [sflag:$0x1] =	stream.indirect_vreg.gather [hbm4b:s3+s2], $0x80, v4, vm0, $0xb8;
	[tilespmem:$0x18080] =	vst v63  }
0x111: {  	v3 =	vadd.s32 v1, v3;
	s9 =	simm.s32 $0xC880  }
0x112: {  	[tilespmem:s9], [sflag:$0x1] =	stream.indirect_vreg.gather [hbm4b:s4+s2], $0x80, v4, vm0, $0xb8;
	[tilespmem:$0x18080] =	vst v63  }
0x113: {  	s9 =	simm.s32 $0xD080  }
0x114: {  	[tilespmem:s9], [sflag:$0x1] =	stream.indirect_vreg.gather [hbm4b:s5+s2], $0x80, v4, vm0, $0xb8;
	[tilespmem:$0x18080] =	vst v63  }
0x115: {  	s9 =	simm.s32 $0xD880  }
0x116: {  	[tilespmem:s9], [sflag:$0x1] =	stream.indirect_vreg.gather [hbm4b:s3+s2], $0x80, v3, vm0, $0xb8;
	[tilespmem:$0x18080] =	vst v63  }
0x117: {  	s9 =	simm.s32 $0xE080  }
0x118: {  	[tilespmem:s9], [sflag:$0x1] =	stream.indirect_vreg.gather [hbm4b:s4+s2], $0x80, v3, vm0, $0xb8;
	[tilespmem:$0x18080] =	vst v63  }
0x119: {  	s9 =	simm.s32 $0xE880  }
0x11a: {  	[tilespmem:s9], [sflag:$0x1] =	stream.indirect_vreg.gather [hbm4b:s5+s2], $0x80, v3, vm0, $0xb8;
	[tilespmem:$0x18080] =	vst v63  }
0x11b: {  	v3 =	vld [tilespmem:$0x50];
	_ =	sdelay $0x4  }
0x11c: {  	v61 =	vshrl.u32 v3, $0x3  }
0x11d: {  	v4 =	vmul.u32 $0x30, v61  }
0x11e: {  	v3 =	vand.u32 $0x7, v3  }
0x11f: {  	v3 =	vor.u32 v3, v4  }
0x120: {  	v4 =	vperm.xlane v3, v0;
	_ =	sdelay $0x1  }
0x121: {  	v4 =	vadd.s32 v1, v4;
	_ =	sdelay $0x3  }
0x122: {  	s9 =	simm.s32 $0xF080;
	v3 =	vperm.xlane v3, v2  }
0x123: {  	[tilespmem:s9], [sflag:$0x1] =	stream.indirect_vreg.gather [hbm4b:s3+s2], $0x80, v4, vm0, $0xb8;
	[tilespmem:$0x18080] =	vst v63  }
0x124: {  	v3 =	vadd.s32 v1, v3;
	s9 =	simm.s32 $0xF880  }
0x125: {  	[tilespmem:s9], [sflag:$0x1] =	stream.indirect_vreg.gather [hbm4b:s4+s2], $0x80, v4, vm0, $0xb8;
	[tilespmem:$0x18080] =	vst v63  }
0x126: {  	s9 =	simm.s32 $0x10080  }
0x127: {  	[tilespmem:s9], [sflag:$0x1] =	stream.indirect_vreg.gather [hbm4b:s5+s2], $0x80, v4, vm0, $0xb8;
	[tilespmem:$0x18080] =	vst v63  }
0x128: {  	s9 =	simm.s32 $0x10880  }
0x129: {  	[tilespmem:s9], [sflag:$0x1] =	stream.indirect_vreg.gather [hbm4b:s3+s2], $0x80, v3, vm0, $0xb8;
	[tilespmem:$0x18080] =	vst v63  }
0x12a: {  	s9 =	simm.s32 $0x11080  }
0x12b: {  	[tilespmem:s9], [sflag:$0x1] =	stream.indirect_vreg.gather [hbm4b:s4+s2], $0x80, v3, vm0, $0xb8;
	[tilespmem:$0x18080] =	vst v63  }
0x12c: {  	s9 =	simm.s32 $0x11880  }
0x12d: {  	[tilespmem:s9], [sflag:$0x1] =	stream.indirect_vreg.gather [hbm4b:s5+s2], $0x80, v3, vm0, $0xb8;
	[tilespmem:$0x18080] =	vst v63  }
0x12e: {  	v3 =	vld [tilespmem:$0x60];
	_ =	sdelay $0x4  }
0x12f: {  	v62 =	vshrl.u32 v3, $0x3  }
0x130: {  	v4 =	vmul.u32 $0x30, v62  }
0x131: {  	v3 =	vand.u32 $0x7, v3  }
0x132: {  	v3 =	vor.u32 v3, v4  }
0x133: {  	v4 =	vperm.xlane v3, v0;
	_ =	sdelay $0x1  }
0x134: {  	v4 =	vadd.s32 v1, v4;
	_ =	sdelay $0x3  }
0x135: {  	s9 =	simm.s32 $0x12080;
	v3 =	vperm.xlane v3, v2  }
0x136: {  	[tilespmem:s9], [sflag:$0x1] =	stream.indirect_vreg.gather [hbm4b:s3+s2], $0x80, v4, vm0, $0xb8;
	[tilespmem:$0x18080] =	vst v63  }
0x137: {  	v3 =	vadd.s32 v1, v3;
	s9 =	simm.s32 $0x12880  }
0x138: {  	[tilespmem:s9], [sflag:$0x1] =	stream.indirect_vreg.gather [hbm4b:s4+s2], $0x80, v4, vm0, $0xb8;
	[tilespmem:$0x18080] =	vst v63  }
0x139: {  	s9 =	simm.s32 $0x13080  }
0x13a: {  	[tilespmem:s9], [sflag:$0x1] =	stream.indirect_vreg.gather [hbm4b:s5+s2], $0x80, v4, vm0, $0xb8;
	[tilespmem:$0x18080] =	vst v63  }
0x13b: {  	s9 =	simm.s32 $0x13880  }
0x13c: {  	[tilespmem:s9], [sflag:$0x1] =	stream.indirect_vreg.gather [hbm4b:s3+s2], $0x80, v3, vm0, $0xb8;
	[tilespmem:$0x18080] =	vst v63  }
0x13d: {  	s9 =	simm.s32 $0x14080  }
0x13e: {  	[tilespmem:s9], [sflag:$0x1] =	stream.indirect_vreg.gather [hbm4b:s4+s2], $0x80, v3, vm0, $0xb8;
	[tilespmem:$0x18080] =	vst v63  }
0x13f: {  	s9 =	simm.s32 $0x14880  }
0x140: {  	[tilespmem:s9], [sflag:$0x1] =	stream.indirect_vreg.gather [hbm4b:s5+s2], $0x80, v3, vm0, $0xb8;
	[tilespmem:$0x18080] =	vst v63  }
0x141: {  	v3 =	vld [tilespmem:$0x70];
	_ =	sdelay $0x4  }
0x142: {  	v63 =	vshrl.u32 v3, $0x3  }
0x143: {  	v4 =	vmul.u32 $0x30, v63  }
0x144: {  	v3 =	vand.u32 $0x7, v3  }
0x145: {  	v3 =	vor.u32 v3, v4  }
0x146: {  	v4 =	vperm.xlane v3, v0;
	_ =	sdelay $0x1  }
0x147: {  	v4 =	vadd.s32 v1, v4;
	_ =	sdelay $0x3  }
0x148: {  	s9 =	simm.s32 $0x15080;
	v3 =	vperm.xlane v3, v2  }
0x149: {  	[tilespmem:s9], [sflag:$0x1] =	stream.indirect_vreg.gather [hbm4b:s3+s2], $0x80, v4, vm0, $0xb8;
	[tilespmem:$0x18080] =	vst v63  }
0x14a: {  	v3 =	vadd.s32 v1, v3;
	s9 =	simm.s32 $0x15880  }
0x14b: {  	[tilespmem:s9], [sflag:$0x1] =	stream.indirect_vreg.gather [hbm4b:s4+s2], $0x80, v4, vm0, $0xb8;
	[tilespmem:$0x18080] =	vst v63  }
0x14c: {  	s9 =	simm.s32 $0x16080  }
0x14d: {  	[tilespmem:s9], [sflag:$0x1] =	stream.indirect_vreg.gather [hbm4b:s5+s2], $0x80, v4, vm0, $0xb8;
	[tilespmem:$0x18080] =	vst v63  }
0x14e: {  	s9 =	simm.s32 $0x16880  }
0x14f: {  	[tilespmem:s9], [sflag:$0x1] =	stream.indirect_vreg.gather [hbm4b:s3+s2], $0x80, v3, vm0, $0xb8;
	[tilespmem:$0x18080] =	vst v63  }
0x150: {  	s9 =	simm.s32 $0x17080  }
0x151: {  	[tilespmem:s9], [sflag:$0x1] =	stream.indirect_vreg.gather [hbm4b:s4+s2], $0x80, v3, vm0, $0xb8;
	[tilespmem:$0x18080] =	vst v63  }
0x152: {  	s9 =	simm.s32 $0x17880  }
0x153: {  	[tilespmem:s9], [sflag:$0x1] =	stream.indirect_vreg.gather [hbm4b:s5+s2], $0x80, v3, vm0, $0xb8;
	[tilespmem:$0x18080] =	vst v63  }
0x154: {  	_ =	swait.ge [sflag:s1], $0x18000  }
0x155: {  	p0 =	sne.s32 s6, $0x1;
	s0 =	simm.s32 $0x80;
	[sflag:s1] =	ssyncset.done $0x0  }
.Ltmp0:
0x156: {  	s9 =	rddreg [dreg:$0x6];
	[sflag:s1] =	ssyncadd.s32 $0xFFFE8000;
	(pc) =	sbr.rel @p0 .LBB2_1-.Ltmp0, $4  }
0x157: {  	[hbm4b:s9+s2] =	stream.linear.scatter [tilespmem:s0], [sflag:$0x2], $0x18000, $0x38;
	[tilespmem:$0x18080] =	vst v63  }
0x158: {  	_ =	swait.ge [sflag:s7], $0x18000  }
0x159: {  	[sflag:s7] =	ssyncset.done $0x0  }
0x15a: {  	s6 =	sadd.s32 $0xFFFFFFFF, s6;
	[sflag:s7] =	ssyncadd.s32 $0xFFFE8000  }
0x15b: {  	_ =	sfence.sel $0x180000  }
0x15c: {  	[bflag:$0x0] =	sbarrier.arrive $0xFFFF  }
0x15d: {  	_ =	strace $0x9000004A  }
0x15e: {  	s0 =	stileid.u32;
	[bflag:$0x2] =	sbarrier.arrive $0xFFFF  }
0x15f: {  	p0 =	sne.s32 s0, $0x0;
	s0 =	rddreg [dreg:$0x2]  }
0x160: {  	s0 =	sadd.s32 @!p0 $0x100000, s0  }
0x161: {  	[sflag:s0] =	ssyncadd.tile.s32 @!p0 $0x1;
	_ =	shalt  }
.Lfunc_end2:
_tile_overlayer_lowered:
.L_overlay_start_2:
0x162: {  	(tag) =	ssettag $0x2  }
0x163: {  	s0 =	rddreg [dreg:$0x0];
	s2 =	stileid.u32  }
0x164: {  	s1 =	rddreg [dreg:$0x1];
	p0 =	sne.s32 s2, $0x0  }
0x165: {  	s3 =	rddreg [dreg:$0x2];
	[bflag:$0x3] =	sbarrier.arrive $0xFFFF;
	s2 =	simm.s32 @!p0 $0x1C02  }
0x166: {  	[timem:s3], [sflag:s2] =	dma.local @!p0 [hbm:s0], s1  }
0x167: {  	s0 =	simm.s32 @!p0 $0x2  }
0x168: {  	_ =	swait.ge @!p0 [sflag:s0], s1  }
0x169: {  	s1 =	ssub.s32 @!p0 $0x0, s1;
	[sflag:s0] =	ssyncset.done @!p0 $0x0  }
0x16a: {  	[sflag:s0] =	ssyncadd.s32 @!p0 s1  }
0x16b: {  	[bflag:$0x3] =	sbarrier.arrive $0xFFFF  }
0x16c: {  	_ =	shalt  }

</sc_bundles>
